<compile_context>
chip_gen: v7x
topology: tpu7x:2x2x1
jax: 0.10.2.dev20260603
libtpu: 0.0.44.dev20260713+nightly
codegen_flags: <defaults>
</compile_context>

<pallas_src>
import functools

import jax
import jax.numpy as jnp
from jax import lax
from jax.experimental import pallas as pl
from jax.experimental.pallas import tpu as pltpu
from jax.experimental.pallas import tpu_sc as plsc

_NC = 2
_NS = 16
_NW = _NC * _NS

_EPS = 1e-5


_CH = 50
_BLK = 50


@functools.partial(jax.jit, static_argnums=(3, 4, 5))
def _sc_scatter(h, src4, dst4, N, D, E):
    CH, BLK = _CH, _BLK
    e_per_tile = E // _NW
    n_ch = e_per_tile // CH
    n_blk = n_ch // BLK
    rows_per_tile = (N // _NS) // 8 * 8
    rows_rem = N - _NS * rows_per_tile

    mesh = plsc.VectorSubcoreMesh(core_axis_name="c", subcore_axis_name="s")

    @functools.partial(
        pl.kernel,
        out_type=jax.ShapeDtypeStruct((_NC, N, D), jnp.float32),
        mesh=mesh,
        scratch_types=[
            pltpu.VMEM((2, BLK, CH), jnp.int32),
            pltpu.VMEM((2, BLK, CH), jnp.int32),
            pltpu.VMEM((CH, D), jnp.float32),
            pltpu.VMEM((CH, D), jnp.float32),
            pltpu.VMEM_SHARED((N, D), jnp.float32),
            pltpu.SemaphoreType.DMA,
            pltpu.SemaphoreType.DMA,
            pltpu.SemaphoreType.DMA,
        ],
    )
    def scatter_kernel(h_hbm, src_hbm, dst_hbm, out_hbm,
                       src_blk, dst_blk, rows0, rows1, accum,
                       semi, sem0, sem1):
        c = lax.axis_index("c")
        s = lax.axis_index("s")
        wid = c * _NS + s

        def idx_start(b, par):
            pltpu.async_copy(src_hbm.at[wid].at[b], src_blk.at[par], semi)
            pltpu.async_copy(dst_hbm.at[wid].at[b], dst_blk.at[par], semi)

        def idx_wait(b, par):
            pltpu.make_async_copy(src_hbm.at[wid].at[b], src_blk.at[par],
                                  semi).wait()
            pltpu.make_async_copy(dst_hbm.at[wid].at[b], dst_blk.at[par],
                                  semi).wait()

        def gather_wait(buf, sem):
            pltpu.make_async_copy(h_hbm.at[src_blk.at[0].at[0]], buf,
                                  sem).wait()

        idx_start(0, 0)

        r0 = s * rows_per_tile
        pltpu.sync_copy(h_hbm.at[pl.ds(r0, rows_per_tile)],
                        accum.at[pl.ds(r0, rows_per_tile)])
        if rows_rem:
            @pl.when(s == _NS - 1)
            def _():
                rr = _NS * rows_per_tile
                pltpu.sync_copy(h_hbm.at[pl.ds(rr, rows_rem)],
                                accum.at[pl.ds(rr, rows_rem)])
        idx_wait(0, 0)
        plsc.subcore_barrier()

        for b in range(n_blk):
            par = b % 2
            sb = src_blk.at[par]
            db = dst_blk.at[par]
            if b + 1 < n_blk:
                idx_start(b + 1, 1 - par)

            pltpu.async_copy(h_hbm.at[sb.at[0]], rows0, sem0)

            def ibody(k, sb=sb, db=db):
                j = 2 * k
                pltpu.async_copy(h_hbm.at[sb.at[j + 1]], rows1, sem1)
                gather_wait(rows0, sem0)
                pltpu.sync_copy(rows0, accum.at[db.at[j]], add=True)

                @pl.when(j + 2 < BLK)
                def _():
                    pltpu.async_copy(h_hbm.at[sb.at[j + 2]], rows0, sem0)

                gather_wait(rows1, sem1)
                pltpu.sync_copy(rows1, accum.at[db.at[j + 1]], add=True)

            pl.loop(0, BLK // 2)(ibody)
            if b + 1 < n_blk:
                idx_wait(b + 1, 1 - par)

        plsc.subcore_barrier()
        pltpu.sync_copy(accum.at[pl.ds(r0, rows_per_tile)],
                        out_hbm.at[c].at[pl.ds(r0, rows_per_tile)])
        if rows_rem:
            @pl.when(s == _NS - 1)
            def _():
                rr = _NS * rows_per_tile
                pltpu.sync_copy(accum.at[pl.ds(rr, rows_rem)],
                                out_hbm.at[c].at[pl.ds(rr, rows_rem)])

    return scatter_kernel(h, src4, dst4)


def _bn_relu(t, g, b):
    m = jnp.mean(t, axis=0, keepdims=True)
    v = jnp.mean((t - m) ** 2, axis=0, keepdims=True)
    return jnp.maximum(g * (t - m) * lax.rsqrt(v + _EPS) + b, 0.0)


def _dense_layer(p, h, W1, b1, g1, be1, W2, b2, gbn, bbn):
    def body(p_ref, h_ref, W1_ref, b1_ref, g1_ref, be1_ref,
             W2_ref, b2_ref, gbn_ref, bbn_ref, out_ref):
        a = p_ref[0] + p_ref[1] - h_ref[...]
        t = jnp.dot(a, W1_ref[...], preferred_element_type=jnp.float32)
        t = _bn_relu(t + b1_ref[...], g1_ref[...], be1_ref[...])
        u = jnp.dot(t, W2_ref[...], preferred_element_type=jnp.float32)
        out_ref[...] = _bn_relu(u + b2_ref[...], gbn_ref[...], bbn_ref[...])

    return pl.pallas_call(
        body,
        out_shape=jax.ShapeDtypeStruct(h.shape, jnp.float32),
    )(p, h, W1, b1, g1, be1, W2, b2, gbn, bbn)


def _dense_layer_head(p, h, W1, b1, g1, be1, W2, b2, gbn, bbn,
                      lin1_W, lin1_b, bn1_g, bn1_b, lin2_W, lin2_b, nclass):
    def body(p_ref, h_ref, W1_ref, b1_ref, g1_ref, be1_ref,
             W2_ref, b2_ref, gbn_ref, bbn_ref,
             l1W_ref, l1b_ref, g_ref, bb_ref, l2W_ref, l2b_ref, out_ref):
        a = p_ref[0] + p_ref[1] - h_ref[...]
        t = jnp.dot(a, W1_ref[...], preferred_element_type=jnp.float32)
        t = _bn_relu(t + b1_ref[...], g1_ref[...], be1_ref[...])
        u = jnp.dot(t, W2_ref[...], preferred_element_type=jnp.float32)
        hh = _bn_relu(u + b2_ref[...], gbn_ref[...], bbn_ref[...])
        t2 = jnp.dot(hh, l1W_ref[...], preferred_element_type=jnp.float32)
        t2 = _bn_relu(t2 + l1b_ref[...], g_ref[...], bb_ref[...])
        z = jnp.dot(t2, l2W_ref[...], preferred_element_type=jnp.float32)
        z = z + l2b_ref[...]
        zmax = jnp.max(z, axis=1, keepdims=True)
        ze = z - zmax
        lse = jnp.log(jnp.sum(jnp.exp(ze), axis=1, keepdims=True))
        out_ref[...] = ze - lse

    return pl.pallas_call(
        body,
        out_shape=jax.ShapeDtypeStruct((h.shape[0], nclass), jnp.float32),
    )(p, h, W1, b1, g1, be1, W2, b2, gbn, bbn,
      lin1_W, lin1_b, bn1_g, bn1_b, lin2_W, lin2_b)


def kernel(x, edge_index, params):
    N, D = x.shape
    E = edge_index.shape[1]
    n_blk = E // _NW // _CH // _BLK
    src = edge_index[0].reshape(_NW, n_blk, _BLK, _CH)
    dst = edge_index[1].reshape(_NW, n_blk, _BLK, _CH)

    def row(v):
        return v.reshape(1, -1)

    h = x
    for l in range(3):
        p = _sc_scatter(h, src, dst, N, D, E)
        args = (p, h,
                params[f"W1_{l}"], row(params[f"b1_{l}"]),
                row(params[f"g1_{l}"]), row(params[f"be1_{l}"]),
                params[f"W2_{l}"], row(params[f"b2_{l}"]),
                row(params[f"gbn_{l}"]), row(params[f"bbn_{l}"]))
        if l < 2:
            h = _dense_layer(*args)
        else:
            nclass = params["lin2_W"].shape[1]
            h = _dense_layer_head(*args,
                                  params["lin1_W"], row(params["lin1_b"]),
                                  row(params["bn1_g"]), row(params["bn1_b"]),
                                  params["lin2_W"], row(params["lin2_b"]),
                                  nclass)
    return h

# --- scband reference (transcript-rebuilt; emitter-appended) ---
"""Pipeline reference for scband-gin-89919435309328 (READ-ONLY COPY).

The authoritative reference and input builder live on the scoring server;
editing this copy changes nothing except your own understanding.
"""

import jax, jax.numpy as jnp
import numpy as np

N = 10000
E = 320000
NFEAT = 128
NHID = 128
NCLASS = 40
L = 3


def setup_inputs(seed: int = 0) -> dict:
    key = jax.random.key(seed)
    ks = jax.random.split(key, 32)
    x = jax.random.normal(ks[0], (N, NFEAT), dtype=jnp.float32)
    edge_index = jax.random.randint(ks[1], (2, E), 0, N, dtype=jnp.int32)
    params = {}
    fin = NFEAT
    ki = 2
    for l in range(L):
        params[f"W1_{l}"] = jax.random.normal(ks[ki], (fin, 2 * NHID), dtype=jnp.float32) * 0.05; ki += 1
        params[f"b1_{l}"] = jnp.zeros((2 * NHID,), dtype=jnp.float32)
        params[f"g1_{l}"] = jnp.ones((2 * NHID,), dtype=jnp.float32)
        params[f"be1_{l}"] = jnp.zeros((2 * NHID,), dtype=jnp.float32)
        params[f"W2_{l}"] = jax.random.normal(ks[ki], (2 * NHID, NHID), dtype=jnp.float32) * 0.05; ki += 1
        params[f"b2_{l}"] = jnp.zeros((NHID,), dtype=jnp.float32)
        params[f"gbn_{l}"] = jnp.ones((NHID,), dtype=jnp.float32)
        params[f"bbn_{l}"] = jnp.zeros((NHID,), dtype=jnp.float32)
        fin = NHID
    params["lin1_W"] = jax.random.normal(ks[ki], (NHID, NHID), dtype=jnp.float32) * 0.05; ki += 1
    params["lin1_b"] = jnp.zeros((NHID,), dtype=jnp.float32)
    params["bn1_g"] = jnp.ones((NHID,), dtype=jnp.float32)
    params["bn1_b"] = jnp.zeros((NHID,), dtype=jnp.float32)
    params["lin2_W"] = jax.random.normal(ks[ki], (NHID, NCLASS), dtype=jnp.float32) * 0.05; ki += 1
    params["lin2_b"] = jnp.zeros((NCLASS,), dtype=jnp.float32)
    return {"x": x, "edge_index": edge_index, "params": params}


def _bn(h, g, b, eps=1e-5):
    m = jnp.mean(h, axis=0)
    v = jnp.var(h, axis=0)
    return g * (h - m) / jnp.sqrt(v + eps) + b


def _forward(x, edge_index, params):
    src = edge_index[0]
    dst = edge_index[1]
    h = x
    for l in range(L):
        # GINConv: (1 + eps) * x + sum_{j in N(i)} x_j, eps = 0
        agg = jnp.zeros_like(h).at[dst].add(h[src])
        h2 = agg + h
        h2 = h2 @ params[f"W1_{l}"] + params[f"b1_{l}"]
        h2 = _bn(h2, params[f"g1_{l}"], params[f"be1_{l}"])
        h2 = jax.nn.relu(h2)
        h2 = h2 @ params[f"W2_{l}"] + params[f"b2_{l}"]
        h = jax.nn.relu(_bn(h2, params[f"gbn_{l}"], params[f"bbn_{l}"]))
    h = jax.nn.relu(_bn(h @ params["lin1_W"] + params["lin1_b"], params["bn1_g"], params["bn1_b"]))
    h = h @ params["lin2_W"] + params["lin2_b"]
    return jax.nn.log_softmax(h, axis=1)


def reference(x, edge_index, params):
    return _forward(x, edge_index, params)

if __name__ == "__main__":
    import jax
    _d = setup_inputs()
    print(jax.jit(kernel)(*tuple(_d.values())))

</pallas_src>

<mosaic_0001>
#map = affine_map<(d0, d1) -> (0, 0)>
#map1 = affine_map<(d0, d1) -> (0, 0, 0, 0)>
#map2 = affine_map<(d0, d1) -> (0, 0, 0)>
module attributes {stable_mosaic.version = 14 : i64} {
  func.func @scatter_kernel(%arg0: i32, %arg1: i32, %arg2: memref<10000x128xf32, #tpu.memory_space<hbm>>, %arg3: memref<32x4x50x50xi32, #tpu.memory_space<hbm>>, %arg4: memref<32x4x50x50xi32, #tpu.memory_space<hbm>>, %arg5: memref<2x10000x128xf32, #tpu.memory_space<hbm>>, %arg6: memref<2x50x50xi32, #tpu.memory_space<vmem>>, %arg7: memref<2x50x50xi32, #tpu.memory_space<vmem>>, %arg8: memref<50x128xf32, #tpu.memory_space<vmem>>, %arg9: memref<50x128xf32, #tpu.memory_space<vmem>>, %arg10: memref<10000x128xf32, #tpu.memory_space<vmem_shared>>, %arg11: memref<!tpu.dma_semaphore, #tpu.memory_space<semaphore_mem>>, %arg12: memref<!tpu.dma_semaphore, #tpu.memory_space<semaphore_mem>>, %arg13: memref<!tpu.dma_semaphore, #tpu.memory_space<semaphore_mem>>) attributes {dimension_semantics = [#tpu.dimension_semantics<core_parallel>, #tpu.dimension_semantics<subcore_parallel>], iteration_bounds = array<i64: 2, 16>, scalar_prefetch = 0 : i64, scratch_operands = 8 : i64, tpu.core_type = #tpu.core_type<sc_vector_subcore>, window_params = [{transform_indices = #map}, {transform_indices = #map1}, {transform_indices = #map1}, {transform_indices = #map2}]} {
    %mul3A = arith.constant 16 : i32
    %mul3A_0 = arith.muli %arg0, %mul3A : i32
    %add3A = arith.addi %mul3A_0, %arg1 : i32
    %dma_start3A = arith.constant 0 : i32
    %dma_start3A_1 = arith.constant 0 : i32
    %dma_start3A_2 = arith.constant 0 : i32
    %dma_start3A_3 = arith.constant 0 : i32
    %dma_start3A_4 = tpu.memref_slice %arg6[%dma_start3A_1, %dma_start3A_2, %dma_start3A_3] : memref<2x50x50xi32, #tpu.memory_space<vmem>> -> memref<1x50x50xi32, #tpu.memory_space<vmem>>
    %dma_start3A_5 = tpu.memref_squeeze %dma_start3A_4 : memref<1x50x50xi32, #tpu.memory_space<vmem>> -> memref<50x50xi32, #tpu.memory_space<vmem>>
    %dma_start3A_6 = arith.constant 0 : i32
    %dma_start3A_7 = arith.constant 0 : i32
    %dma_start3A_8 = arith.constant 0 : i32
    %dma_start3A_9 = tpu.memref_slice %arg3[%add3A, %dma_start3A_6, %dma_start3A_7, %dma_start3A_8] : memref<32x4x50x50xi32, #tpu.memory_space<hbm>> -> memref<1x4x50x50xi32, #tpu.memory_space<hbm>>
    %dma_start3A_10 = tpu.memref_squeeze %dma_start3A_9 : memref<1x4x50x50xi32, #tpu.memory_space<hbm>> -> memref<4x50x50xi32, #tpu.memory_space<hbm>>
    %dma_start3A_11 = arith.constant 0 : i32
    %dma_start3A_12 = arith.constant 0 : i32
    %dma_start3A_13 = tpu.memref_slice %dma_start3A_10[%dma_start3A, %dma_start3A_11, %dma_start3A_12] : memref<4x50x50xi32, #tpu.memory_space<hbm>> -> memref<1x50x50xi32, #tpu.memory_space<hbm>>
    %dma_start3A_14 = tpu.memref_squeeze %dma_start3A_13 : memref<1x50x50xi32, #tpu.memory_space<hbm>> -> memref<50x50xi32, #tpu.memory_space<hbm>>
    %dma_start3A_15 = arith.constant 0 : i32
    %dma_start3A_16 = arith.constant 0 : i32
    %dma_start3A_17 = tpu.memref_slice %arg6[%dma_start3A_1, %dma_start3A_15, %dma_start3A_16] : memref<2x50x50xi32, #tpu.memory_space<vmem>> -> memref<1x50x50xi32, #tpu.memory_space<vmem>>
    %dma_start3A_18 = tpu.memref_squeeze %dma_start3A_17 : memref<1x50x50xi32, #tpu.memory_space<vmem>> -> memref<50x50xi32, #tpu.memory_space<vmem>>
    %dma_start3A_19 = arith.constant 0 : i32
    %dma_start3A_20 = arith.constant 0 : i32
    %dma_start3A_21 = arith.constant 0 : i32
    %dma_start3A_22 = tpu.memref_slice %arg3[%add3A, %dma_start3A_19, %dma_start3A_20, %dma_start3A_21] : memref<32x4x50x50xi32, #tpu.memory_space<hbm>> -> memref<1x4x50x50xi32, #tpu.memory_space<hbm>>
    %dma_start3A_23 = tpu.memref_squeeze %dma_start3A_22 : memref<1x4x50x50xi32, #tpu.memory_space<hbm>> -> memref<4x50x50xi32, #tpu.memory_space<hbm>>
    %dma_start3A_24 = arith.constant 0 : i32
    %dma_start3A_25 = arith.constant 0 : i32
    %dma_start3A_26 = tpu.memref_slice %dma_start3A_23[%dma_start3A, %dma_start3A_24, %dma_start3A_25] : memref<4x50x50xi32, #tpu.memory_space<hbm>> -> memref<1x50x50xi32, #tpu.memory_space<hbm>>
    %dma_start3A_27 = tpu.memref_squeeze %dma_start3A_26 : memref<1x50x50xi32, #tpu.memory_space<hbm>> -> memref<50x50xi32, #tpu.memory_space<hbm>>
    tpu.enqueue_dma source(%dma_start3A_27 : memref<50x50xi32, #tpu.memory_space<hbm>>) target(%dma_start3A_18 : memref<50x50xi32, #tpu.memory_space<vmem>>) target_semaphore(%arg11 : memref<!tpu.dma_semaphore, #tpu.memory_space<semaphore_mem>>)
    %dma_start3A_28 = arith.constant 0 : i32
    %dma_start3A_29 = arith.constant 0 : i32
    %dma_start3A_30 = arith.constant 0 : i32
    %dma_start3A_31 = arith.constant 0 : i32
    %dma_start3A_32 = tpu.memref_slice %arg7[%dma_start3A_29, %dma_start3A_30, %dma_start3A_31] : memref<2x50x50xi32, #tpu.memory_space<vmem>> -> memref<1x50x50xi32, #tpu.memory_space<vmem>>
    %dma_start3A_33 = tpu.memref_squeeze %dma_start3A_32 : memref<1x50x50xi32, #tpu.memory_space<vmem>> -> memref<50x50xi32, #tpu.memory_space<vmem>>
    %dma_start3A_34 = arith.constant 0 : i32
    %dma_start3A_35 = arith.constant 0 : i32
    %dma_start3A_36 = arith.constant 0 : i32
    %dma_start3A_37 = tpu.memref_slice %arg4[%add3A, %dma_start3A_34, %dma_start3A_35, %dma_start3A_36] : memref<32x4x50x50xi32, #tpu.memory_space<hbm>> -> memref<1x4x50x50xi32, #tpu.memory_space<hbm>>
    %dma_start3A_38 = tpu.memref_squeeze %dma_start3A_37 : memref<1x4x50x50xi32, #tpu.memory_space<hbm>> -> memref<4x50x50xi32, #tpu.memory_space<hbm>>
    %dma_start3A_39 = arith.constant 0 : i32
    %dma_start3A_40 = arith.constant 0 : i32
    %dma_start3A_41 = tpu.memref_slice %dma_start3A_38[%dma_start3A_28, %dma_start3A_39, %dma_start3A_40] : memref<4x50x50xi32, #tpu.memory_space<hbm>> -> memref<1x50x50xi32, #tpu.memory_space<hbm>>
    %dma_start3A_42 = tpu.memref_squeeze %dma_start3A_41 : memref<1x50x50xi32, #tpu.memory_space<hbm>> -> memref<50x50xi32, #tpu.memory_space<hbm>>
    %dma_start3A_43 = arith.constant 0 : i32
    %dma_start3A_44 = arith.constant 0 : i32
    %dma_start3A_45 = tpu.memref_slice %arg7[%dma_start3A_29, %dma_start3A_43, %dma_start3A_44] : memref<2x50x50xi32, #tpu.memory_space<vmem>> -> memref<1x50x50xi32, #tpu.memory_space<vmem>>
    %dma_start3A_46 = tpu.memref_squeeze %dma_start3A_45 : memref<1x50x50xi32, #tpu.memory_space<vmem>> -> memref<50x50xi32, #tpu.memory_space<vmem>>
    %dma_start3A_47 = arith.constant 0 : i32
    %dma_start3A_48 = arith.constant 0 : i32
    %dma_start3A_49 = arith.constant 0 : i32
    %dma_start3A_50 = tpu.memref_slice %arg4[%add3A, %dma_start3A_47, %dma_start3A_48, %dma_start3A_49] : memref<32x4x50x50xi32, #tpu.memory_space<hbm>> -> memref<1x4x50x50xi32, #tpu.memory_space<hbm>>
    %dma_start3A_51 = tpu.memref_squeeze %dma_start3A_50 : memref<1x4x50x50xi32, #tpu.memory_space<hbm>> -> memref<4x50x50xi32, #tpu.memory_space<hbm>>
    %dma_start3A_52 = arith.constant 0 : i32
    %dma_start3A_53 = arith.constant 0 : i32
    %dma_start3A_54 = tpu.memref_slice %dma_start3A_51[%dma_start3A_28, %dma_start3A_52, %dma_start3A_53] : memref<4x50x50xi32, #tpu.memory_space<hbm>> -> memref<1x50x50xi32, #tpu.memory_space<hbm>>
    %dma_start3A_55 = tpu.memref_squeeze %dma_start3A_54 : memref<1x50x50xi32, #tpu.memory_space<hbm>> -> memref<50x50xi32, #tpu.memory_space<hbm>>
    tpu.enqueue_dma source(%dma_start3A_55 : memref<50x50xi32, #tpu.memory_space<hbm>>) target(%dma_start3A_46 : memref<50x50xi32, #tpu.memory_space<vmem>>) target_semaphore(%arg11 : memref<!tpu.dma_semaphore, #tpu.memory_space<semaphore_mem>>)
    %mul3A_56 = arith.constant 624 : i32
    %mul3A_57 = arith.muli %arg1, %mul3A_56 : i32
    "tpu.region"() ({
      %run_scoped3A = tpu.sem_alloc : memref<!tpu.dma_semaphore, #tpu.memory_space<semaphore_mem>>
      %dma_start3A_532 = arith.constant 0 : i32
      %dma_start3A_533 = tpu.memref_slice %arg10[%mul3A_57, %dma_start3A_532] : memref<10000x128xf32, #tpu.memory_space<vmem_shared>> -> memref<624x128xf32, #tpu.memory_space<vmem_shared>>
      %dma_start3A_534 = arith.constant 0 : i32
      %dma_start3A_535 = tpu.memref_slice %arg2[%mul3A_57, %dma_start3A_534] : memref<10000x128xf32, #tpu.memory_space<hbm>> -> memref<624x128xf32, #tpu.memory_space<hbm>>
      tpu.enqueue_dma source(%dma_start3A_535 : memref<624x128xf32, #tpu.memory_space<hbm>>) target(%dma_start3A_533 : memref<624x128xf32, #tpu.memory_space<vmem_shared>>) target_semaphore(%run_scoped3A : memref<!tpu.dma_semaphore, #tpu.memory_space<semaphore_mem>>)
      %dma_wait3A_536 = arith.constant 0 : i32
      %dma_wait3A_537 = tpu.memref_slice %arg10[%mul3A_57, %dma_wait3A_536] : memref<10000x128xf32, #tpu.memory_space<vmem_shared>> -> memref<624x128xf32, #tpu.memory_space<vmem_shared>>
      %dma_wait3A_538 = arith.constant 0 : i32
      %dma_wait3A_539 = tpu.memref_slice %arg2[%mul3A_57, %dma_wait3A_538] : memref<10000x128xf32, #tpu.memory_space<hbm>> -> memref<624x128xf32, #tpu.memory_space<hbm>>
      tpu.wait_dma2 semaphore(%run_scoped3A : memref<!tpu.dma_semaphore, #tpu.memory_space<semaphore_mem>>) src(%dma_wait3A_539 : memref<624x128xf32, #tpu.memory_space<hbm>>) dst(%dma_wait3A_537 : memref<624x128xf32, #tpu.memory_space<vmem_shared>>)
      tpu.yield
    }) : () -> ()
    %eq3A = arith.constant 15 : i32
    %eq3A_58 = arith.cmpi eq, %arg1, %eq3A : i32
    %convert_element_type3A = arith.extui %eq3A_58 : i1 to i32
    %cond3A = arith.constant 0 : i32
    %cond3A_59 = arith.cmpi ne, %convert_element_type3A, %cond3A : i32
    scf.if %cond3A_59 {
      "tpu.region"() ({
        %run_scoped3A = tpu.sem_alloc : memref<!tpu.dma_semaphore, #tpu.memory_space<semaphore_mem>>
        %dma_start3A_532 = arith.constant 9984 : i32
        %dma_start3A_533 = arith.constant 0 : i32
        %dma_start3A_534 = tpu.memref_slice %arg10[%dma_start3A_532, %dma_start3A_533] : memref<10000x128xf32, #tpu.memory_space<vmem_shared>> -> memref<16x128xf32, #tpu.memory_space<vmem_shared>>
        %dma_start3A_535 = arith.constant 9984 : i32
        %dma_start3A_536 = arith.constant 0 : i32
        %dma_start3A_537 = tpu.memref_slice %arg2[%dma_start3A_535, %dma_start3A_536] : memref<10000x128xf32, #tpu.memory_space<hbm>> -> memref<16x128xf32, #tpu.memory_space<hbm>>
        tpu.enqueue_dma source(%dma_start3A_537 : memref<16x128xf32, #tpu.memory_space<hbm>>) target(%dma_start3A_534 : memref<16x128xf32, #tpu.memory_space<vmem_shared>>) target_semaphore(%run_scoped3A : memref<!tpu.dma_semaphore, #tpu.memory_space<semaphore_mem>>)
        %dma_wait3A_538 = arith.constant 9984 : i32
        %dma_wait3A_539 = arith.constant 0 : i32
        %dma_wait3A_540 = tpu.memref_slice %arg10[%dma_wait3A_538, %dma_wait3A_539] : memref<10000x128xf32, #tpu.memory_space<vmem_shared>> -> memref<16x128xf32, #tpu.memory_space<vmem_shared>>
        %dma_wait3A_541 = arith.constant 9984 : i32
        %dma_wait3A_542 = arith.constant 0 : i32
        %dma_wait3A_543 = tpu.memref_slice %arg2[%dma_wait3A_541, %dma_wait3A_542] : memref<10000x128xf32, #tpu.memory_space<hbm>> -> memref<16x128xf32, #tpu.memory_space<hbm>>
        tpu.wait_dma2 semaphore(%run_scoped3A : memref<!tpu.dma_semaphore, #tpu.memory_space<semaphore_mem>>) src(%dma_wait3A_543 : memref<16x128xf32, #tpu.memory_space<hbm>>) dst(%dma_wait3A_540 : memref<16x128xf32, #tpu.memory_space<vmem_shared>>)
        tpu.yield
      }) : () -> ()
    } else {
    }
    %dma_wait3A = arith.constant 0 : i32
    %dma_wait3A_60 = arith.constant 0 : i32
    %dma_wait3A_61 = arith.constant 0 : i32
    %dma_wait3A_62 = arith.constant 0 : i32
    %dma_wait3A_63 = tpu.memref_slice %arg6[%dma_wait3A_60, %dma_wait3A_61, %dma_wait3A_62] : memref<2x50x50xi32, #tpu.memory_space<vmem>> -> memref<1x50x50xi32, #tpu.memory_space<vmem>>
    %dma_wait3A_64 = tpu.memref_squeeze %dma_wait3A_63 : memref<1x50x50xi32, #tpu.memory_space<vmem>> -> memref<50x50xi32, #tpu.memory_space<vmem>>
    %dma_wait3A_65 = arith.constant 0 : i32
    %dma_wait3A_66 = arith.constant 0 : i32
    %dma_wait3A_67 = arith.constant 0 : i32
    %dma_wait3A_68 = tpu.memref_slice %arg3[%add3A, %dma_wait3A_65, %dma_wait3A_66, %dma_wait3A_67] : memref<32x4x50x50xi32, #tpu.memory_space<hbm>> -> memref<1x4x50x50xi32, #tpu.memory_space<hbm>>
    %dma_wait3A_69 = tpu.memref_squeeze %dma_wait3A_68 : memref<1x4x50x50xi32, #tpu.memory_space<hbm>> -> memref<4x50x50xi32, #tpu.memory_space<hbm>>
    %dma_wait3A_70 = arith.constant 0 : i32
    %dma_wait3A_71 = arith.constant 0 : i32
    %dma_wait3A_72 = tpu.memref_slice %dma_wait3A_69[%dma_wait3A, %dma_wait3A_70, %dma_wait3A_71] : memref<4x50x50xi32, #tpu.memory_space<hbm>> -> memref<1x50x50xi32, #tpu.memory_space<hbm>>
    %dma_wait3A_73 = tpu.memref_squeeze %dma_wait3A_72 : memref<1x50x50xi32, #tpu.memory_space<hbm>> -> memref<50x50xi32, #tpu.memory_space<hbm>>
    %dma_wait3A_74 = arith.constant 0 : i32
    %dma_wait3A_75 = arith.constant 0 : i32
    %dma_wait3A_76 = tpu.memref_slice %arg6[%dma_wait3A_60, %dma_wait3A_74, %dma_wait3A_75] : memref<2x50x50xi32, #tpu.memory_space<vmem>> -> memref<1x50x50xi32, #tpu.memory_space<vmem>>
    %dma_wait3A_77 = tpu.memref_squeeze %dma_wait3A_76 : memref<1x50x50xi32, #tpu.memory_space<vmem>> -> memref<50x50xi32, #tpu.memory_space<vmem>>
    %dma_wait3A_78 = arith.constant 0 : i32
    %dma_wait3A_79 = arith.constant 0 : i32
    %dma_wait3A_80 = arith.constant 0 : i32
    %dma_wait3A_81 = tpu.memref_slice %arg3[%add3A, %dma_wait3A_78, %dma_wait3A_79, %dma_wait3A_80] : memref<32x4x50x50xi32, #tpu.memory_space<hbm>> -> memref<1x4x50x50xi32, #tpu.memory_space<hbm>>
    %dma_wait3A_82 = tpu.memref_squeeze %dma_wait3A_81 : memref<1x4x50x50xi32, #tpu.memory_space<hbm>> -> memref<4x50x50xi32, #tpu.memory_space<hbm>>
    %dma_wait3A_83 = arith.constant 0 : i32
    %dma_wait3A_84 = arith.constant 0 : i32
    %dma_wait3A_85 = tpu.memref_slice %dma_wait3A_82[%dma_wait3A, %dma_wait3A_83, %dma_wait3A_84] : memref<4x50x50xi32, #tpu.memory_space<hbm>> -> memref<1x50x50xi32, #tpu.memory_space<hbm>>
    %dma_wait3A_86 = tpu.memref_squeeze %dma_wait3A_85 : memref<1x50x50xi32, #tpu.memory_space<hbm>> -> memref<50x50xi32, #tpu.memory_space<hbm>>
    tpu.wait_dma2 semaphore(%arg11 : memref<!tpu.dma_semaphore, #tpu.memory_space<semaphore_mem>>) src(%dma_wait3A_86 : memref<50x50xi32, #tpu.memory_space<hbm>>) dst(%dma_wait3A_77 : memref<50x50xi32, #tpu.memory_space<vmem>>)
    %dma_wait3A_87 = arith.constant 0 : i32
    %dma_wait3A_88 = arith.constant 0 : i32
    %dma_wait3A_89 = arith.constant 0 : i32
    %dma_wait3A_90 = arith.constant 0 : i32
    %dma_wait3A_91 = tpu.memref_slice %arg7[%dma_wait3A_88, %dma_wait3A_89, %dma_wait3A_90] : memref<2x50x50xi32, #tpu.memory_space<vmem>> -> memref<1x50x50xi32, #tpu.memory_space<vmem>>
    %dma_wait3A_92 = tpu.memref_squeeze %dma_wait3A_91 : memref<1x50x50xi32, #tpu.memory_space<vmem>> -> memref<50x50xi32, #tpu.memory_space<vmem>>
    %dma_wait3A_93 = arith.constant 0 : i32
    %dma_wait3A_94 = arith.constant 0 : i32
    %dma_wait3A_95 = arith.constant 0 : i32
    %dma_wait3A_96 = tpu.memref_slice %arg4[%add3A, %dma_wait3A_93, %dma_wait3A_94, %dma_wait3A_95] : memref<32x4x50x50xi32, #tpu.memory_space<hbm>> -> memref<1x4x50x50xi32, #tpu.memory_space<hbm>>
    %dma_wait3A_97 = tpu.memref_squeeze %dma_wait3A_96 : memref<1x4x50x50xi32, #tpu.memory_space<hbm>> -> memref<4x50x50xi32, #tpu.memory_space<hbm>>
    %dma_wait3A_98 = arith.constant 0 : i32
    %dma_wait3A_99 = arith.constant 0 : i32
    %dma_wait3A_100 = tpu.memref_slice %dma_wait3A_97[%dma_wait3A_87, %dma_wait3A_98, %dma_wait3A_99] : memref<4x50x50xi32, #tpu.memory_space<hbm>> -> memref<1x50x50xi32, #tpu.memory_space<hbm>>
    %dma_wait3A_101 = tpu.memref_squeeze %dma_wait3A_100 : memref<1x50x50xi32, #tpu.memory_space<hbm>> -> memref<50x50xi32, #tpu.memory_space<hbm>>
    %dma_wait3A_102 = arith.constant 0 : i32
    %dma_wait3A_103 = arith.constant 0 : i32
    %dma_wait3A_104 = tpu.memref_slice %arg7[%dma_wait3A_88, %dma_wait3A_102, %dma_wait3A_103] : memref<2x50x50xi32, #tpu.memory_space<vmem>> -> memref<1x50x50xi32, #tpu.memory_space<vmem>>
    %dma_wait3A_105 = tpu.memref_squeeze %dma_wait3A_104 : memref<1x50x50xi32, #tpu.memory_space<vmem>> -> memref<50x50xi32, #tpu.memory_space<vmem>>
    %dma_wait3A_106 = arith.constant 0 : i32
    %dma_wait3A_107 = arith.constant 0 : i32
    %dma_wait3A_108 = arith.constant 0 : i32
    %dma_wait3A_109 = tpu.memref_slice %arg4[%add3A, %dma_wait3A_106, %dma_wait3A_107, %dma_wait3A_108] : memref<32x4x50x50xi32, #tpu.memory_space<hbm>> -> memref<1x4x50x50xi32, #tpu.memory_space<hbm>>
    %dma_wait3A_110 = tpu.memref_squeeze %dma_wait3A_109 : memref<1x4x50x50xi32, #tpu.memory_space<hbm>> -> memref<4x50x50xi32, #tpu.memory_space<hbm>>
    %dma_wait3A_111 = arith.constant 0 : i32
    %dma_wait3A_112 = arith.constant 0 : i32
    %dma_wait3A_113 = tpu.memref_slice %dma_wait3A_110[%dma_wait3A_87, %dma_wait3A_111, %dma_wait3A_112] : memref<4x50x50xi32, #tpu.memory_space<hbm>> -> memref<1x50x50xi32, #tpu.memory_space<hbm>>
    %dma_wait3A_114 = tpu.memref_squeeze %dma_wait3A_113 : memref<1x50x50xi32, #tpu.memory_space<hbm>> -> memref<50x50xi32, #tpu.memory_space<hbm>>
    tpu.wait_dma2 semaphore(%arg11 : memref<!tpu.dma_semaphore, #tpu.memory_space<semaphore_mem>>) src(%dma_wait3A_114 : memref<50x50xi32, #tpu.memory_space<hbm>>) dst(%dma_wait3A_105 : memref<50x50xi32, #tpu.memory_space<vmem>>)
    %barrier3A = arith.constant 0 : index
    tpu.barrier barrier_id(%barrier3A)
    %dma_start3A_115 = arith.constant 1 : i32
    %dma_start3A_116 = arith.constant 1 : i32
    %dma_start3A_117 = arith.constant 0 : i32
    %dma_start3A_118 = arith.constant 0 : i32
    %dma_start3A_119 = tpu.memref_slice %arg6[%dma_start3A_116, %dma_start3A_117, %dma_start3A_118] : memref<2x50x50xi32, #tpu.memory_space<vmem>> -> memref<1x50x50xi32, #tpu.memory_space<vmem>>
    %dma_start3A_120 = tpu.memref_squeeze %dma_start3A_119 : memref<1x50x50xi32, #tpu.memory_space<vmem>> -> memref<50x50xi32, #tpu.memory_space<vmem>>
    %dma_start3A_121 = arith.constant 0 : i32
    %dma_start3A_122 = arith.constant 0 : i32
    %dma_start3A_123 = arith.constant 0 : i32
    %dma_start3A_124 = tpu.memref_slice %arg3[%add3A, %dma_start3A_121, %dma_start3A_122, %dma_start3A_123] : memref<32x4x50x50xi32, #tpu.memory_space<hbm>> -> memref<1x4x50x50xi32, #tpu.memory_space<hbm>>
    %dma_start3A_125 = tpu.memref_squeeze %dma_start3A_124 : memref<1x4x50x50xi32, #tpu.memory_space<hbm>> -> memref<4x50x50xi32, #tpu.memory_space<hbm>>
    %dma_start3A_126 = arith.constant 0 : i32
    %dma_start3A_127 = arith.constant 0 : i32
    %dma_start3A_128 = tpu.memref_slice %dma_start3A_125[%dma_start3A_115, %dma_start3A_126, %dma_start3A_127] : memref<4x50x50xi32, #tpu.memory_space<hbm>> -> memref<1x50x50xi32, #tpu.memory_space<hbm>>
    %dma_start3A_129 = tpu.memref_squeeze %dma_start3A_128 : memref<1x50x50xi32, #tpu.memory_space<hbm>> -> memref<50x50xi32, #tpu.memory_space<hbm>>
    %dma_start3A_130 = arith.constant 0 : i32
    %dma_start3A_131 = arith.constant 0 : i32
    %dma_start3A_132 = tpu.memref_slice %arg6[%dma_start3A_116, %dma_start3A_130, %dma_start3A_131] : memref<2x50x50xi32, #tpu.memory_space<vmem>> -> memref<1x50x50xi32, #tpu.memory_space<vmem>>
    %dma_start3A_133 = tpu.memref_squeeze %dma_start3A_132 : memref<1x50x50xi32, #tpu.memory_space<vmem>> -> memref<50x50xi32, #tpu.memory_space<vmem>>
    %dma_start3A_134 = arith.constant 0 : i32
    %dma_start3A_135 = arith.constant 0 : i32
    %dma_start3A_136 = arith.constant 0 : i32
    %dma_start3A_137 = tpu.memref_slice %arg3[%add3A, %dma_start3A_134, %dma_start3A_135, %dma_start3A_136] : memref<32x4x50x50xi32, #tpu.memory_space<hbm>> -> memref<1x4x50x50xi32, #tpu.memory_space<hbm>>
    %dma_start3A_138 = tpu.memref_squeeze %dma_start3A_137 : memref<1x4x50x50xi32, #tpu.memory_space<hbm>> -> memref<4x50x50xi32, #tpu.memory_space<hbm>>
    %dma_start3A_139 = arith.constant 0 : i32
    %dma_start3A_140 = arith.constant 0 : i32
    %dma_start3A_141 = tpu.memref_slice %dma_start3A_138[%dma_start3A_115, %dma_start3A_139, %dma_start3A_140] : memref<4x50x50xi32, #tpu.memory_space<hbm>> -> memref<1x50x50xi32, #tpu.memory_space<hbm>>
    %dma_start3A_142 = tpu.memref_squeeze %dma_start3A_141 : memref<1x50x50xi32, #tpu.memory_space<hbm>> -> memref<50x50xi32, #tpu.memory_space<hbm>>
    tpu.enqueue_dma source(%dma_start3A_142 : memref<50x50xi32, #tpu.memory_space<hbm>>) target(%dma_start3A_133 : memref<50x50xi32, #tpu.memory_space<vmem>>) target_semaphore(%arg11 : memref<!tpu.dma_semaphore, #tpu.memory_space<semaphore_mem>>)
    %dma_start3A_143 = arith.constant 1 : i32
    %dma_start3A_144 = arith.constant 1 : i32
    %dma_start3A_145 = arith.constant 0 : i32
    %dma_start3A_146 = arith.constant 0 : i32
    %dma_start3A_147 = tpu.memref_slice %arg7[%dma_start3A_144, %dma_start3A_145, %dma_start3A_146] : memref<2x50x50xi32, #tpu.memory_space<vmem>> -> memref<1x50x50xi32, #tpu.memory_space<vmem>>
    %dma_start3A_148 = tpu.memref_squeeze %dma_start3A_147 : memref<1x50x50xi32, #tpu.memory_space<vmem>> -> memref<50x50xi32, #tpu.memory_space<vmem>>
    %dma_start3A_149 = arith.constant 0 : i32
    %dma_start3A_150 = arith.constant 0 : i32
    %dma_start3A_151 = arith.constant 0 : i32
    %dma_start3A_152 = tpu.memref_slice %arg4[%add3A, %dma_start3A_149, %dma_start3A_150, %dma_start3A_151] : memref<32x4x50x50xi32, #tpu.memory_space<hbm>> -> memref<1x4x50x50xi32, #tpu.memory_space<hbm>>
    %dma_start3A_153 = tpu.memref_squeeze %dma_start3A_152 : memref<1x4x50x50xi32, #tpu.memory_space<hbm>> -> memref<4x50x50xi32, #tpu.memory_space<hbm>>
    %dma_start3A_154 = arith.constant 0 : i32
    %dma_start3A_155 = arith.constant 0 : i32
    %dma_start3A_156 = tpu.memref_slice %dma_start3A_153[%dma_start3A_143, %dma_start3A_154, %dma_start3A_155] : memref<4x50x50xi32, #tpu.memory_space<hbm>> -> memref<1x50x50xi32, #tpu.memory_space<hbm>>
    %dma_start3A_157 = tpu.memref_squeeze %dma_start3A_156 : memref<1x50x50xi32, #tpu.memory_space<hbm>> -> memref<50x50xi32, #tpu.memory_space<hbm>>
    %dma_start3A_158 = arith.constant 0 : i32
    %dma_start3A_159 = arith.constant 0 : i32
    %dma_start3A_160 = tpu.memref_slice %arg7[%dma_start3A_144, %dma_start3A_158, %dma_start3A_159] : memref<2x50x50xi32, #tpu.memory_space<vmem>> -> memref<1x50x50xi32, #tpu.memory_space<vmem>>
    %dma_start3A_161 = tpu.memref_squeeze %dma_start3A_160 : memref<1x50x50xi32, #tpu.memory_space<vmem>> -> memref<50x50xi32, #tpu.memory_space<vmem>>
    %dma_start3A_162 = arith.constant 0 : i32
    %dma_start3A_163 = arith.constant 0 : i32
    %dma_start3A_164 = arith.constant 0 : i32
    %dma_start3A_165 = tpu.memref_slice %arg4[%add3A, %dma_start3A_162, %dma_start3A_163, %dma_start3A_164] : memref<32x4x50x50xi32, #tpu.memory_space<hbm>> -> memref<1x4x50x50xi32, #tpu.memory_space<hbm>>
    %dma_start3A_166 = tpu.memref_squeeze %dma_start3A_165 : memref<1x4x50x50xi32, #tpu.memory_space<hbm>> -> memref<4x50x50xi32, #tpu.memory_space<hbm>>
    %dma_start3A_167 = arith.constant 0 : i32
    %dma_start3A_168 = arith.constant 0 : i32
    %dma_start3A_169 = tpu.memref_slice %dma_start3A_166[%dma_start3A_143, %dma_start3A_167, %dma_start3A_168] : memref<4x50x50xi32, #tpu.memory_space<hbm>> -> memref<1x50x50xi32, #tpu.memory_space<hbm>>
    %dma_start3A_170 = tpu.memref_squeeze %dma_start3A_169 : memref<1x50x50xi32, #tpu.memory_space<hbm>> -> memref<50x50xi32, #tpu.memory_space<hbm>>
    tpu.enqueue_dma source(%dma_start3A_170 : memref<50x50xi32, #tpu.memory_space<hbm>>) target(%dma_start3A_161 : memref<50x50xi32, #tpu.memory_space<vmem>>) target_semaphore(%arg11 : memref<!tpu.dma_semaphore, #tpu.memory_space<semaphore_mem>>)
    %dma_start3A_171 = arith.constant 0 : i32
    %dma_start3A_172 = arith.constant 0 : i32
    %dma_start3A_173 = arith.constant 0 : i32
    %dma_start3A_174 = arith.constant 0 : i32
    %dma_start3A_175 = tpu.memref_slice %arg6[%dma_start3A_171, %dma_start3A_173, %dma_start3A_174] : memref<2x50x50xi32, #tpu.memory_space<vmem>> -> memref<1x50x50xi32, #tpu.memory_space<vmem>>
    %dma_start3A_176 = tpu.memref_squeeze %dma_start3A_175 : memref<1x50x50xi32, #tpu.memory_space<vmem>> -> memref<50x50xi32, #tpu.memory_space<vmem>>
    %dma_start3A_177 = arith.constant 0 : i32
    %dma_start3A_178 = tpu.memref_slice %dma_start3A_176[%dma_start3A_172, %dma_start3A_177] : memref<50x50xi32, #tpu.memory_space<vmem>> -> memref<1x50xi32, #tpu.memory_space<vmem>>
    %dma_start3A_179 = tpu.memref_squeeze %dma_start3A_178 : memref<1x50xi32, #tpu.memory_space<vmem>> -> memref<50xi32, #tpu.memory_space<vmem>>
    %dma_start3A_180 = arith.constant 0 : i32
    %dma_start3A_181 = arith.constant 0 : i32
    %dma_start3A_182 = tpu.memref_slice %arg2[%dma_start3A_180, %dma_start3A_181] : memref<10000x128xf32, #tpu.memory_space<hbm>> -> memref<10000x128xf32, #tpu.memory_space<hbm>>
    tpu.enqueue_indirect_dma source(%dma_start3A_182 : memref<10000x128xf32, #tpu.memory_space<hbm>>) target(%arg8 : memref<50x128xf32, #tpu.memory_space<vmem>>) offsets(%dma_start3A_179 : memref<50xi32, #tpu.memory_space<vmem>>) semaphore(%arg12 : memref<!tpu.dma_semaphore, #tpu.memory_space<semaphore_mem>>)
    %scan3A = arith.constant 0 : i32
    %scan3A_183 = arith.constant 0 : i32
    %scan3A_184 = arith.constant 0 : i32
    %scan3A_185 = arith.constant 25 : i32
    %scan3A_186 = arith.addi %scan3A_184, %scan3A_185 : i32
    %scan3A_187 = arith.constant 1 : i32
    scf.for %scan3A_532 = %scan3A_184 to %scan3A_186 step %scan3A_187  : i32 {
      %mul3A_533 = arith.constant 1 : i32
      %mul3A_534 = arith.muli %scan3A_532, %mul3A_533 : i32
      %add3A_535 = arith.constant 0 : i32
      %add3A_536 = arith.addi %add3A_535, %mul3A_534 : i32
      %mul3A_537 = arith.constant 2 : i32
      %mul3A_538 = arith.muli %mul3A_537, %add3A_536 : i32
      %add3A_539 = arith.constant 1 : i32
      %add3A_540 = arith.addi %mul3A_538, %add3A_539 : i32
      %dma_start3A_541 = arith.constant 0 : i32
      %dma_start3A_542 = arith.constant 0 : i32
      %dma_start3A_543 = tpu.memref_slice %arg6[%scan3A, %dma_start3A_541, %dma_start3A_542] : memref<2x50x50xi32, #tpu.memory_space<vmem>> -> memref<1x50x50xi32, #tpu.memory_space<vmem>>
      %dma_start3A_544 = tpu.memref_squeeze %dma_start3A_543 : memref<1x50x50xi32, #tpu.memory_space<vmem>> -> memref<50x50xi32, #tpu.memory_space<vmem>>
      %dma_start3A_545 = arith.constant 0 : i32
      %dma_start3A_546 = tpu.memref_slice %dma_start3A_544[%add3A_540, %dma_start3A_545] : memref<50x50xi32, #tpu.memory_space<vmem>> -> memref<1x50xi32, #tpu.memory_space<vmem>>
      %dma_start3A_547 = tpu.memref_squeeze %dma_start3A_546 : memref<1x50xi32, #tpu.memory_space<vmem>> -> memref<50xi32, #tpu.memory_space<vmem>>
      %dma_start3A_548 = arith.constant 0 : i32
      %dma_start3A_549 = arith.constant 0 : i32
      %dma_start3A_550 = tpu.memref_slice %arg2[%dma_start3A_548, %dma_start3A_549] : memref<10000x128xf32, #tpu.memory_space<hbm>> -> memref<10000x128xf32, #tpu.memory_space<hbm>>
      tpu.enqueue_indirect_dma source(%dma_start3A_550 : memref<10000x128xf32, #tpu.memory_space<hbm>>) target(%arg9 : memref<50x128xf32, #tpu.memory_space<vmem>>) offsets(%dma_start3A_547 : memref<50xi32, #tpu.memory_space<vmem>>) semaphore(%arg13 : memref<!tpu.dma_semaphore, #tpu.memory_space<semaphore_mem>>)
      %dma_wait3A_551 = arith.constant 0 : i32
      %dma_wait3A_552 = arith.constant 0 : i32
      %dma_wait3A_553 = arith.constant 0 : i32
      %dma_wait3A_554 = arith.constant 0 : i32
      %dma_wait3A_555 = tpu.memref_slice %arg6[%dma_wait3A_551, %dma_wait3A_553, %dma_wait3A_554] : memref<2x50x50xi32, #tpu.memory_space<vmem>> -> memref<1x50x50xi32, #tpu.memory_space<vmem>>
      %dma_wait3A_556 = tpu.memref_squeeze %dma_wait3A_555 : memref<1x50x50xi32, #tpu.memory_space<vmem>> -> memref<50x50xi32, #tpu.memory_space<vmem>>
      %dma_wait3A_557 = arith.constant 0 : i32
      %dma_wait3A_558 = tpu.memref_slice %dma_wait3A_556[%dma_wait3A_552, %dma_wait3A_557] : memref<50x50xi32, #tpu.memory_space<vmem>> -> memref<1x50xi32, #tpu.memory_space<vmem>>
      %dma_wait3A_559 = tpu.memref_squeeze %dma_wait3A_558 : memref<1x50xi32, #tpu.memory_space<vmem>> -> memref<50xi32, #tpu.memory_space<vmem>>
      %dma_wait3A_560 = arith.constant 0 : i32
      %dma_wait3A_561 = arith.constant 0 : i32
      %dma_wait3A_562 = tpu.memref_slice %arg2[%dma_wait3A_560, %dma_wait3A_561] : memref<10000x128xf32, #tpu.memory_space<hbm>> -> memref<10000x128xf32, #tpu.memory_space<hbm>>
      tpu.wait_indirect_dma semaphore(%arg12 : memref<!tpu.dma_semaphore, #tpu.memory_space<semaphore_mem>>) src(%dma_wait3A_562 : memref<10000x128xf32, #tpu.memory_space<hbm>>) dst(%arg8 : memref<50x128xf32, #tpu.memory_space<vmem>>)
      "tpu.region"() ({
        %run_scoped3A = tpu.sem_alloc : memref<!tpu.dma_semaphore, #tpu.memory_space<semaphore_mem>>
        %dma_start3A_583 = arith.constant 0 : i32
        %dma_start3A_584 = arith.constant 0 : i32
        %dma_start3A_585 = tpu.memref_slice %arg7[%scan3A_183, %dma_start3A_583, %dma_start3A_584] : memref<2x50x50xi32, #tpu.memory_space<vmem>> -> memref<1x50x50xi32, #tpu.memory_space<vmem>>
        %dma_start3A_586 = tpu.memref_squeeze %dma_start3A_585 : memref<1x50x50xi32, #tpu.memory_space<vmem>> -> memref<50x50xi32, #tpu.memory_space<vmem>>
        %dma_start3A_587 = arith.constant 0 : i32
        %dma_start3A_588 = tpu.memref_slice %dma_start3A_586[%mul3A_538, %dma_start3A_587] : memref<50x50xi32, #tpu.memory_space<vmem>> -> memref<1x50xi32, #tpu.memory_space<vmem>>
        %dma_start3A_589 = tpu.memref_squeeze %dma_start3A_588 : memref<1x50xi32, #tpu.memory_space<vmem>> -> memref<50xi32, #tpu.memory_space<vmem>>
        %dma_start3A_590 = arith.constant 0 : i32
        %dma_start3A_591 = arith.constant 0 : i32
        %dma_start3A_592 = tpu.memref_slice %arg10[%dma_start3A_590, %dma_start3A_591] : memref<10000x128xf32, #tpu.memory_space<vmem_shared>> -> memref<10000x128xf32, #tpu.memory_space<vmem_shared>>
        tpu.enqueue_indirect_dma source(%arg8 : memref<50x128xf32, #tpu.memory_space<vmem>>) target(%dma_start3A_592 : memref<10000x128xf32, #tpu.memory_space<vmem_shared>>) offsets(%dma_start3A_589 : memref<50xi32, #tpu.memory_space<vmem>>) semaphore(%run_scoped3A : memref<!tpu.dma_semaphore, #tpu.memory_space<semaphore_mem>>) {add = true}
        %dma_wait3A_593 = arith.constant 0 : i32
        %dma_wait3A_594 = arith.constant 0 : i32
        %dma_wait3A_595 = tpu.memref_slice %arg7[%scan3A_183, %dma_wait3A_593, %dma_wait3A_594] : memref<2x50x50xi32, #tpu.memory_space<vmem>> -> memref<1x50x50xi32, #tpu.memory_space<vmem>>
        %dma_wait3A_596 = tpu.memref_squeeze %dma_wait3A_595 : memref<1x50x50xi32, #tpu.memory_space<vmem>> -> memref<50x50xi32, #tpu.memory_space<vmem>>
        %dma_wait3A_597 = arith.constant 0 : i32
        %dma_wait3A_598 = tpu.memref_slice %dma_wait3A_596[%mul3A_538, %dma_wait3A_597] : memref<50x50xi32, #tpu.memory_space<vmem>> -> memref<1x50xi32, #tpu.memory_space<vmem>>
        %dma_wait3A_599 = tpu.memref_squeeze %dma_wait3A_598 : memref<1x50xi32, #tpu.memory_space<vmem>> -> memref<50xi32, #tpu.memory_space<vmem>>
        %dma_wait3A_600 = arith.constant 0 : i32
        %dma_wait3A_601 = arith.constant 0 : i32
        %dma_wait3A_602 = tpu.memref_slice %arg10[%dma_wait3A_600, %dma_wait3A_601] : memref<10000x128xf32, #tpu.memory_space<vmem_shared>> -> memref<10000x128xf32, #tpu.memory_space<vmem_shared>>
        tpu.wait_indirect_dma semaphore(%run_scoped3A : memref<!tpu.dma_semaphore, #tpu.memory_space<semaphore_mem>>) src(%arg8 : memref<50x128xf32, #tpu.memory_space<vmem>>) dst(%dma_wait3A_602 : memref<10000x128xf32, #tpu.memory_space<vmem_shared>>)
        tpu.yield
      }) : () -> ()
      %add3A_563 = arith.constant 2 : i32
      %add3A_564 = arith.addi %mul3A_538, %add3A_563 : i32
      %lt3A = arith.constant 50 : i32
      %lt3A_565 = arith.cmpi slt, %add3A_564, %lt3A : i32
      %convert_element_type3A_566 = arith.extui %lt3A_565 : i1 to i32
      %cond3A_567 = arith.constant 0 : i32
      %cond3A_568 = arith.cmpi ne, %convert_element_type3A_566, %cond3A_567 : i32
      scf.if %cond3A_568 {
        %add3A_583 = arith.constant 2 : i32
        %add3A_584 = arith.addi %mul3A_538, %add3A_583 : i32
        %dma_start3A_585 = arith.constant 0 : i32
        %dma_start3A_586 = arith.constant 0 : i32
        %dma_start3A_587 = tpu.memref_slice %arg6[%scan3A, %dma_start3A_585, %dma_start3A_586] : memref<2x50x50xi32, #tpu.memory_space<vmem>> -> memref<1x50x50xi32, #tpu.memory_space<vmem>>
        %dma_start3A_588 = tpu.memref_squeeze %dma_start3A_587 : memref<1x50x50xi32, #tpu.memory_space<vmem>> -> memref<50x50xi32, #tpu.memory_space<vmem>>
        %dma_start3A_589 = arith.constant 0 : i32
        %dma_start3A_590 = tpu.memref_slice %dma_start3A_588[%add3A_584, %dma_start3A_589] : memref<50x50xi32, #tpu.memory_space<vmem>> -> memref<1x50xi32, #tpu.memory_space<vmem>>
        %dma_start3A_591 = tpu.memref_squeeze %dma_start3A_590 : memref<1x50xi32, #tpu.memory_space<vmem>> -> memref<50xi32, #tpu.memory_space<vmem>>
        %dma_start3A_592 = arith.constant 0 : i32
        %dma_start3A_593 = arith.constant 0 : i32
        %dma_start3A_594 = tpu.memref_slice %arg2[%dma_start3A_592, %dma_start3A_593] : memref<10000x128xf32, #tpu.memory_space<hbm>> -> memref<10000x128xf32, #tpu.memory_space<hbm>>
        tpu.enqueue_indirect_dma source(%dma_start3A_594 : memref<10000x128xf32, #tpu.memory_space<hbm>>) target(%arg8 : memref<50x128xf32, #tpu.memory_space<vmem>>) offsets(%dma_start3A_591 : memref<50xi32, #tpu.memory_space<vmem>>) semaphore(%arg12 : memref<!tpu.dma_semaphore, #tpu.memory_space<semaphore_mem>>)
      } else {
      }
      %dma_wait3A_569 = arith.constant 0 : i32
      %dma_wait3A_570 = arith.constant 0 : i32
      %dma_wait3A_571 = arith.constant 0 : i32
      %dma_wait3A_572 = arith.constant 0 : i32
      %dma_wait3A_573 = tpu.memref_slice %arg6[%dma_wait3A_569, %dma_wait3A_571, %dma_wait3A_572] : memref<2x50x50xi32, #tpu.memory_space<vmem>> -> memref<1x50x50xi32, #tpu.memory_space<vmem>>
      %dma_wait3A_574 = tpu.memref_squeeze %dma_wait3A_573 : memref<1x50x50xi32, #tpu.memory_space<vmem>> -> memref<50x50xi32, #tpu.memory_space<vmem>>
      %dma_wait3A_575 = arith.constant 0 : i32
      %dma_wait3A_576 = tpu.memref_slice %dma_wait3A_574[%dma_wait3A_570, %dma_wait3A_575] : memref<50x50xi32, #tpu.memory_space<vmem>> -> memref<1x50xi32, #tpu.memory_space<vmem>>
      %dma_wait3A_577 = tpu.memref_squeeze %dma_wait3A_576 : memref<1x50xi32, #tpu.memory_space<vmem>> -> memref<50xi32, #tpu.memory_space<vmem>>
      %dma_wait3A_578 = arith.constant 0 : i32
      %dma_wait3A_579 = arith.constant 0 : i32
      %dma_wait3A_580 = tpu.memref_slice %arg2[%dma_wait3A_578, %dma_wait3A_579] : memref<10000x128xf32, #tpu.memory_space<hbm>> -> memref<10000x128xf32, #tpu.memory_space<hbm>>
      tpu.wait_indirect_dma semaphore(%arg13 : memref<!tpu.dma_semaphore, #tpu.memory_space<semaphore_mem>>) src(%dma_wait3A_580 : memref<10000x128xf32, #tpu.memory_space<hbm>>) dst(%arg9 : memref<50x128xf32, #tpu.memory_space<vmem>>)
      %add3A_581 = arith.constant 1 : i32
      %add3A_582 = arith.addi %mul3A_538, %add3A_581 : i32
      "tpu.region"() ({
        %run_scoped3A = tpu.sem_alloc : memref<!tpu.dma_semaphore, #tpu.memory_space<semaphore_mem>>
        %dma_start3A_583 = arith.constant 0 : i32
        %dma_start3A_584 = arith.constant 0 : i32
        %dma_start3A_585 = tpu.memref_slice %arg7[%scan3A_183, %dma_start3A_583, %dma_start3A_584] : memref<2x50x50xi32, #tpu.memory_space<vmem>> -> memref<1x50x50xi32, #tpu.memory_space<vmem>>
        %dma_start3A_586 = tpu.memref_squeeze %dma_start3A_585 : memref<1x50x50xi32, #tpu.memory_space<vmem>> -> memref<50x50xi32, #tpu.memory_space<vmem>>
        %dma_start3A_587 = arith.constant 0 : i32
        %dma_start3A_588 = tpu.memref_slice %dma_start3A_586[%add3A_582, %dma_start3A_587] : memref<50x50xi32, #tpu.memory_space<vmem>> -> memref<1x50xi32, #tpu.memory_space<vmem>>
        %dma_start3A_589 = tpu.memref_squeeze %dma_start3A_588 : memref<1x50xi32, #tpu.memory_space<vmem>> -> memref<50xi32, #tpu.memory_space<vmem>>
        %dma_start3A_590 = arith.constant 0 : i32
        %dma_start3A_591 = arith.constant 0 : i32
        %dma_start3A_592 = tpu.memref_slice %arg10[%dma_start3A_590, %dma_start3A_591] : memref<10000x128xf32, #tpu.memory_space<vmem_shared>> -> memref<10000x128xf32, #tpu.memory_space<vmem_shared>>
        tpu.enqueue_indirect_dma source(%arg9 : memref<50x128xf32, #tpu.memory_space<vmem>>) target(%dma_start3A_592 : memref<10000x128xf32, #tpu.memory_space<vmem_shared>>) offsets(%dma_start3A_589 : memref<50xi32, #tpu.memory_space<vmem>>) semaphore(%run_scoped3A : memref<!tpu.dma_semaphore, #tpu.memory_space<semaphore_mem>>) {add = true}
        %dma_wait3A_593 = arith.constant 0 : i32
        %dma_wait3A_594 = arith.constant 0 : i32
        %dma_wait3A_595 = tpu.memref_slice %arg7[%scan3A_183, %dma_wait3A_593, %dma_wait3A_594] : memref<2x50x50xi32, #tpu.memory_space<vmem>> -> memref<1x50x50xi32, #tpu.memory_space<vmem>>
        %dma_wait3A_596 = tpu.memref_squeeze %dma_wait3A_595 : memref<1x50x50xi32, #tpu.memory_space<vmem>> -> memref<50x50xi32, #tpu.memory_space<vmem>>
        %dma_wait3A_597 = arith.constant 0 : i32
        %dma_wait3A_598 = tpu.memref_slice %dma_wait3A_596[%add3A_582, %dma_wait3A_597] : memref<50x50xi32, #tpu.memory_space<vmem>> -> memref<1x50xi32, #tpu.memory_space<vmem>>
        %dma_wait3A_599 = tpu.memref_squeeze %dma_wait3A_598 : memref<1x50xi32, #tpu.memory_space<vmem>> -> memref<50xi32, #tpu.memory_space<vmem>>
        %dma_wait3A_600 = arith.constant 0 : i32
        %dma_wait3A_601 = arith.constant 0 : i32
        %dma_wait3A_602 = tpu.memref_slice %arg10[%dma_wait3A_600, %dma_wait3A_601] : memref<10000x128xf32, #tpu.memory_space<vmem_shared>> -> memref<10000x128xf32, #tpu.memory_space<vmem_shared>>
        tpu.wait_indirect_dma semaphore(%run_scoped3A : memref<!tpu.dma_semaphore, #tpu.memory_space<semaphore_mem>>) src(%arg9 : memref<50x128xf32, #tpu.memory_space<vmem>>) dst(%dma_wait3A_602 : memref<10000x128xf32, #tpu.memory_space<vmem_shared>>)
        tpu.yield
      }) : () -> ()
    }
    %scan3A_188 = arith.constant 25 : i32
    %dma_wait3A_189 = arith.constant 1 : i32
    %dma_wait3A_190 = arith.constant 1 : i32
    %dma_wait3A_191 = arith.constant 0 : i32
    %dma_wait3A_192 = arith.constant 0 : i32
    %dma_wait3A_193 = tpu.memref_slice %arg6[%dma_wait3A_190, %dma_wait3A_191, %dma_wait3A_192] : memref<2x50x50xi32, #tpu.memory_space<vmem>> -> memref<1x50x50xi32, #tpu.memory_space<vmem>>
    %dma_wait3A_194 = tpu.memref_squeeze %dma_wait3A_193 : memref<1x50x50xi32, #tpu.memory_space<vmem>> -> memref<50x50xi32, #tpu.memory_space<vmem>>
    %dma_wait3A_195 = arith.constant 0 : i32
    %dma_wait3A_196 = arith.constant 0 : i32
    %dma_wait3A_197 = arith.constant 0 : i32
    %dma_wait3A_198 = tpu.memref_slice %arg3[%add3A, %dma_wait3A_195, %dma_wait3A_196, %dma_wait3A_197] : memref<32x4x50x50xi32, #tpu.memory_space<hbm>> -> memref<1x4x50x50xi32, #tpu.memory_space<hbm>>
    %dma_wait3A_199 = tpu.memref_squeeze %dma_wait3A_198 : memref<1x4x50x50xi32, #tpu.memory_space<hbm>> -> memref<4x50x50xi32, #tpu.memory_space<hbm>>
    %dma_wait3A_200 = arith.constant 0 : i32
    %dma_wait3A_201 = arith.constant 0 : i32
    %dma_wait3A_202 = tpu.memref_slice %dma_wait3A_199[%dma_wait3A_189, %dma_wait3A_200, %dma_wait3A_201] : memref<4x50x50xi32, #tpu.memory_space<hbm>> -> memref<1x50x50xi32, #tpu.memory_space<hbm>>
    %dma_wait3A_203 = tpu.memref_squeeze %dma_wait3A_202 : memref<1x50x50xi32, #tpu.memory_space<hbm>> -> memref<50x50xi32, #tpu.memory_space<hbm>>
    %dma_wait3A_204 = arith.constant 0 : i32
    %dma_wait3A_205 = arith.constant 0 : i32
    %dma_wait3A_206 = tpu.memref_slice %arg6[%dma_wait3A_190, %dma_wait3A_204, %dma_wait3A_205] : memref<2x50x50xi32, #tpu.memory_space<vmem>> -> memref<1x50x50xi32, #tpu.memory_space<vmem>>
    %dma_wait3A_207 = tpu.memref_squeeze %dma_wait3A_206 : memref<1x50x50xi32, #tpu.memory_space<vmem>> -> memref<50x50xi32, #tpu.memory_space<vmem>>
    %dma_wait3A_208 = arith.constant 0 : i32
    %dma_wait3A_209 = arith.constant 0 : i32
    %dma_wait3A_210 = arith.constant 0 : i32
    %dma_wait3A_211 = tpu.memref_slice %arg3[%add3A, %dma_wait3A_208, %dma_wait3A_209, %dma_wait3A_210] : memref<32x4x50x50xi32, #tpu.memory_space<hbm>> -> memref<1x4x50x50xi32, #tpu.memory_space<hbm>>
    %dma_wait3A_212 = tpu.memref_squeeze %dma_wait3A_211 : memref<1x4x50x50xi32, #tpu.memory_space<hbm>> -> memref<4x50x50xi32, #tpu.memory_space<hbm>>
    %dma_wait3A_213 = arith.constant 0 : i32
    %dma_wait3A_214 = arith.constant 0 : i32
    %dma_wait3A_215 = tpu.memref_slice %dma_wait3A_212[%dma_wait3A_189, %dma_wait3A_213, %dma_wait3A_214] : memref<4x50x50xi32, #tpu.memory_space<hbm>> -> memref<1x50x50xi32, #tpu.memory_space<hbm>>
    %dma_wait3A_216 = tpu.memref_squeeze %dma_wait3A_215 : memref<1x50x50xi32, #tpu.memory_space<hbm>> -> memref<50x50xi32, #tpu.memory_space<hbm>>
    tpu.wait_dma2 semaphore(%arg11 : memref<!tpu.dma_semaphore, #tpu.memory_space<semaphore_mem>>) src(%dma_wait3A_216 : memref<50x50xi32, #tpu.memory_space<hbm>>) dst(%dma_wait3A_207 : memref<50x50xi32, #tpu.memory_space<vmem>>)
    %dma_wait3A_217 = arith.constant 1 : i32
    %dma_wait3A_218 = arith.constant 1 : i32
    %dma_wait3A_219 = arith.constant 0 : i32
    %dma_wait3A_220 = arith.constant 0 : i32
    %dma_wait3A_221 = tpu.memref_slice %arg7[%dma_wait3A_218, %dma_wait3A_219, %dma_wait3A_220] : memref<2x50x50xi32, #tpu.memory_space<vmem>> -> memref<1x50x50xi32, #tpu.memory_space<vmem>>
    %dma_wait3A_222 = tpu.memref_squeeze %dma_wait3A_221 : memref<1x50x50xi32, #tpu.memory_space<vmem>> -> memref<50x50xi32, #tpu.memory_space<vmem>>
    %dma_wait3A_223 = arith.constant 0 : i32
    %dma_wait3A_224 = arith.constant 0 : i32
    %dma_wait3A_225 = arith.constant 0 : i32
    %dma_wait3A_226 = tpu.memref_slice %arg4[%add3A, %dma_wait3A_223, %dma_wait3A_224, %dma_wait3A_225] : memref<32x4x50x50xi32, #tpu.memory_space<hbm>> -> memref<1x4x50x50xi32, #tpu.memory_space<hbm>>
    %dma_wait3A_227 = tpu.memref_squeeze %dma_wait3A_226 : memref<1x4x50x50xi32, #tpu.memory_space<hbm>> -> memref<4x50x50xi32, #tpu.memory_space<hbm>>
    %dma_wait3A_228 = arith.constant 0 : i32
    %dma_wait3A_229 = arith.constant 0 : i32
    %dma_wait3A_230 = tpu.memref_slice %dma_wait3A_227[%dma_wait3A_217, %dma_wait3A_228, %dma_wait3A_229] : memref<4x50x50xi32, #tpu.memory_space<hbm>> -> memref<1x50x50xi32, #tpu.memory_space<hbm>>
    %dma_wait3A_231 = tpu.memref_squeeze %dma_wait3A_230 : memref<1x50x50xi32, #tpu.memory_space<hbm>> -> memref<50x50xi32, #tpu.memory_space<hbm>>
    %dma_wait3A_232 = arith.constant 0 : i32
    %dma_wait3A_233 = arith.constant 0 : i32
    %dma_wait3A_234 = tpu.memref_slice %arg7[%dma_wait3A_218, %dma_wait3A_232, %dma_wait3A_233] : memref<2x50x50xi32, #tpu.memory_space<vmem>> -> memref<1x50x50xi32, #tpu.memory_space<vmem>>
    %dma_wait3A_235 = tpu.memref_squeeze %dma_wait3A_234 : memref<1x50x50xi32, #tpu.memory_space<vmem>> -> memref<50x50xi32, #tpu.memory_space<vmem>>
    %dma_wait3A_236 = arith.constant 0 : i32
    %dma_wait3A_237 = arith.constant 0 : i32
    %dma_wait3A_238 = arith.constant 0 : i32
    %dma_wait3A_239 = tpu.memref_slice %arg4[%add3A, %dma_wait3A_236, %dma_wait3A_237, %dma_wait3A_238] : memref<32x4x50x50xi32, #tpu.memory_space<hbm>> -> memref<1x4x50x50xi32, #tpu.memory_space<hbm>>
    %dma_wait3A_240 = tpu.memref_squeeze %dma_wait3A_239 : memref<1x4x50x50xi32, #tpu.memory_space<hbm>> -> memref<4x50x50xi32, #tpu.memory_space<hbm>>
    %dma_wait3A_241 = arith.constant 0 : i32
    %dma_wait3A_242 = arith.constant 0 : i32
    %dma_wait3A_243 = tpu.memref_slice %dma_wait3A_240[%dma_wait3A_217, %dma_wait3A_241, %dma_wait3A_242] : memref<4x50x50xi32, #tpu.memory_space<hbm>> -> memref<1x50x50xi32, #tpu.memory_space<hbm>>
    %dma_wait3A_244 = tpu.memref_squeeze %dma_wait3A_243 : memref<1x50x50xi32, #tpu.memory_space<hbm>> -> memref<50x50xi32, #tpu.memory_space<hbm>>
    tpu.wait_dma2 semaphore(%arg11 : memref<!tpu.dma_semaphore, #tpu.memory_space<semaphore_mem>>) src(%dma_wait3A_244 : memref<50x50xi32, #tpu.memory_space<hbm>>) dst(%dma_wait3A_235 : memref<50x50xi32, #tpu.memory_space<vmem>>)
    %dma_start3A_245 = arith.constant 2 : i32
    %dma_start3A_246 = arith.constant 0 : i32
    %dma_start3A_247 = arith.constant 0 : i32
    %dma_start3A_248 = arith.constant 0 : i32
    %dma_start3A_249 = tpu.memref_slice %arg6[%dma_start3A_246, %dma_start3A_247, %dma_start3A_248] : memref<2x50x50xi32, #tpu.memory_space<vmem>> -> memref<1x50x50xi32, #tpu.memory_space<vmem>>
    %dma_start3A_250 = tpu.memref_squeeze %dma_start3A_249 : memref<1x50x50xi32, #tpu.memory_space<vmem>> -> memref<50x50xi32, #tpu.memory_space<vmem>>
    %dma_start3A_251 = arith.constant 0 : i32
    %dma_start3A_252 = arith.constant 0 : i32
    %dma_start3A_253 = arith.constant 0 : i32
    %dma_start3A_254 = tpu.memref_slice %arg3[%add3A, %dma_start3A_251, %dma_start3A_252, %dma_start3A_253] : memref<32x4x50x50xi32, #tpu.memory_space<hbm>> -> memref<1x4x50x50xi32, #tpu.memory_space<hbm>>
    %dma_start3A_255 = tpu.memref_squeeze %dma_start3A_254 : memref<1x4x50x50xi32, #tpu.memory_space<hbm>> -> memref<4x50x50xi32, #tpu.memory_space<hbm>>
    %dma_start3A_256 = arith.constant 0 : i32
    %dma_start3A_257 = arith.constant 0 : i32
    %dma_start3A_258 = tpu.memref_slice %dma_start3A_255[%dma_start3A_245, %dma_start3A_256, %dma_start3A_257] : memref<4x50x50xi32, #tpu.memory_space<hbm>> -> memref<1x50x50xi32, #tpu.memory_space<hbm>>
    %dma_start3A_259 = tpu.memref_squeeze %dma_start3A_258 : memref<1x50x50xi32, #tpu.memory_space<hbm>> -> memref<50x50xi32, #tpu.memory_space<hbm>>
    %dma_start3A_260 = arith.constant 0 : i32
    %dma_start3A_261 = arith.constant 0 : i32
    %dma_start3A_262 = tpu.memref_slice %arg6[%dma_start3A_246, %dma_start3A_260, %dma_start3A_261] : memref<2x50x50xi32, #tpu.memory_space<vmem>> -> memref<1x50x50xi32, #tpu.memory_space<vmem>>
    %dma_start3A_263 = tpu.memref_squeeze %dma_start3A_262 : memref<1x50x50xi32, #tpu.memory_space<vmem>> -> memref<50x50xi32, #tpu.memory_space<vmem>>
    %dma_start3A_264 = arith.constant 0 : i32
    %dma_start3A_265 = arith.constant 0 : i32
    %dma_start3A_266 = arith.constant 0 : i32
    %dma_start3A_267 = tpu.memref_slice %arg3[%add3A, %dma_start3A_264, %dma_start3A_265, %dma_start3A_266] : memref<32x4x50x50xi32, #tpu.memory_space<hbm>> -> memref<1x4x50x50xi32, #tpu.memory_space<hbm>>
    %dma_start3A_268 = tpu.memref_squeeze %dma_start3A_267 : memref<1x4x50x50xi32, #tpu.memory_space<hbm>> -> memref<4x50x50xi32, #tpu.memory_space<hbm>>
    %dma_start3A_269 = arith.constant 0 : i32
    %dma_start3A_270 = arith.constant 0 : i32
    %dma_start3A_271 = tpu.memref_slice %dma_start3A_268[%dma_start3A_245, %dma_start3A_269, %dma_start3A_270] : memref<4x50x50xi32, #tpu.memory_space<hbm>> -> memref<1x50x50xi32, #tpu.memory_space<hbm>>
    %dma_start3A_272 = tpu.memref_squeeze %dma_start3A_271 : memref<1x50x50xi32, #tpu.memory_space<hbm>> -> memref<50x50xi32, #tpu.memory_space<hbm>>
    tpu.enqueue_dma source(%dma_start3A_272 : memref<50x50xi32, #tpu.memory_space<hbm>>) target(%dma_start3A_263 : memref<50x50xi32, #tpu.memory_space<vmem>>) target_semaphore(%arg11 : memref<!tpu.dma_semaphore, #tpu.memory_space<semaphore_mem>>)
    %dma_start3A_273 = arith.constant 2 : i32
    %dma_start3A_274 = arith.constant 0 : i32
    %dma_start3A_275 = arith.constant 0 : i32
    %dma_start3A_276 = arith.constant 0 : i32
    %dma_start3A_277 = tpu.memref_slice %arg7[%dma_start3A_274, %dma_start3A_275, %dma_start3A_276] : memref<2x50x50xi32, #tpu.memory_space<vmem>> -> memref<1x50x50xi32, #tpu.memory_space<vmem>>
    %dma_start3A_278 = tpu.memref_squeeze %dma_start3A_277 : memref<1x50x50xi32, #tpu.memory_space<vmem>> -> memref<50x50xi32, #tpu.memory_space<vmem>>
    %dma_start3A_279 = arith.constant 0 : i32
    %dma_start3A_280 = arith.constant 0 : i32
    %dma_start3A_281 = arith.constant 0 : i32
    %dma_start3A_282 = tpu.memref_slice %arg4[%add3A, %dma_start3A_279, %dma_start3A_280, %dma_start3A_281] : memref<32x4x50x50xi32, #tpu.memory_space<hbm>> -> memref<1x4x50x50xi32, #tpu.memory_space<hbm>>
    %dma_start3A_283 = tpu.memref_squeeze %dma_start3A_282 : memref<1x4x50x50xi32, #tpu.memory_space<hbm>> -> memref<4x50x50xi32, #tpu.memory_space<hbm>>
    %dma_start3A_284 = arith.constant 0 : i32
    %dma_start3A_285 = arith.constant 0 : i32
    %dma_start3A_286 = tpu.memref_slice %dma_start3A_283[%dma_start3A_273, %dma_start3A_284, %dma_start3A_285] : memref<4x50x50xi32, #tpu.memory_space<hbm>> -> memref<1x50x50xi32, #tpu.memory_space<hbm>>
    %dma_start3A_287 = tpu.memref_squeeze %dma_start3A_286 : memref<1x50x50xi32, #tpu.memory_space<hbm>> -> memref<50x50xi32, #tpu.memory_space<hbm>>
    %dma_start3A_288 = arith.constant 0 : i32
    %dma_start3A_289 = arith.constant 0 : i32
    %dma_start3A_290 = tpu.memref_slice %arg7[%dma_start3A_274, %dma_start3A_288, %dma_start3A_289] : memref<2x50x50xi32, #tpu.memory_space<vmem>> -> memref<1x50x50xi32, #tpu.memory_space<vmem>>
    %dma_start3A_291 = tpu.memref_squeeze %dma_start3A_290 : memref<1x50x50xi32, #tpu.memory_space<vmem>> -> memref<50x50xi32, #tpu.memory_space<vmem>>
    %dma_start3A_292 = arith.constant 0 : i32
    %dma_start3A_293 = arith.constant 0 : i32
    %dma_start3A_294 = arith.constant 0 : i32
    %dma_start3A_295 = tpu.memref_slice %arg4[%add3A, %dma_start3A_292, %dma_start3A_293, %dma_start3A_294] : memref<32x4x50x50xi32, #tpu.memory_space<hbm>> -> memref<1x4x50x50xi32, #tpu.memory_space<hbm>>
    %dma_start3A_296 = tpu.memref_squeeze %dma_start3A_295 : memref<1x4x50x50xi32, #tpu.memory_space<hbm>> -> memref<4x50x50xi32, #tpu.memory_space<hbm>>
    %dma_start3A_297 = arith.constant 0 : i32
    %dma_start3A_298 = arith.constant 0 : i32
    %dma_start3A_299 = tpu.memref_slice %dma_start3A_296[%dma_start3A_273, %dma_start3A_297, %dma_start3A_298] : memref<4x50x50xi32, #tpu.memory_space<hbm>> -> memref<1x50x50xi32, #tpu.memory_space<hbm>>
    %dma_start3A_300 = tpu.memref_squeeze %dma_start3A_299 : memref<1x50x50xi32, #tpu.memory_space<hbm>> -> memref<50x50xi32, #tpu.memory_space<hbm>>
    tpu.enqueue_dma source(%dma_start3A_300 : memref<50x50xi32, #tpu.memory_space<hbm>>) target(%dma_start3A_291 : memref<50x50xi32, #tpu.memory_space<vmem>>) target_semaphore(%arg11 : memref<!tpu.dma_semaphore, #tpu.memory_space<semaphore_mem>>)
    %dma_start3A_301 = arith.constant 1 : i32
    %dma_start3A_302 = arith.constant 0 : i32
    %dma_start3A_303 = arith.constant 0 : i32
    %dma_start3A_304 = arith.constant 0 : i32
    %dma_start3A_305 = tpu.memref_slice %arg6[%dma_start3A_301, %dma_start3A_303, %dma_start3A_304] : memref<2x50x50xi32, #tpu.memory_space<vmem>> -> memref<1x50x50xi32, #tpu.memory_space<vmem>>
    %dma_start3A_306 = tpu.memref_squeeze %dma_start3A_305 : memref<1x50x50xi32, #tpu.memory_space<vmem>> -> memref<50x50xi32, #tpu.memory_space<vmem>>
    %dma_start3A_307 = arith.constant 0 : i32
    %dma_start3A_308 = tpu.memref_slice %dma_start3A_306[%dma_start3A_302, %dma_start3A_307] : memref<50x50xi32, #tpu.memory_space<vmem>> -> memref<1x50xi32, #tpu.memory_space<vmem>>
    %dma_start3A_309 = tpu.memref_squeeze %dma_start3A_308 : memref<1x50xi32, #tpu.memory_space<vmem>> -> memref<50xi32, #tpu.memory_space<vmem>>
    %dma_start3A_310 = arith.constant 0 : i32
    %dma_start3A_311 = arith.constant 0 : i32
    %dma_start3A_312 = tpu.memref_slice %arg2[%dma_start3A_310, %dma_start3A_311] : memref<10000x128xf32, #tpu.memory_space<hbm>> -> memref<10000x128xf32, #tpu.memory_space<hbm>>
    tpu.enqueue_indirect_dma source(%dma_start3A_312 : memref<10000x128xf32, #tpu.memory_space<hbm>>) target(%arg8 : memref<50x128xf32, #tpu.memory_space<vmem>>) offsets(%dma_start3A_309 : memref<50xi32, #tpu.memory_space<vmem>>) semaphore(%arg12 : memref<!tpu.dma_semaphore, #tpu.memory_space<semaphore_mem>>)
    %scan3A_313 = arith.constant 1 : i32
    %scan3A_314 = arith.constant 1 : i32
    %scan3A_315 = arith.constant 0 : i32
    %scan3A_316 = arith.constant 25 : i32
    %scan3A_317 = arith.addi %scan3A_315, %scan3A_316 : i32
    %scan3A_318 = arith.constant 1 : i32
    scf.for %scan3A_532 = %scan3A_315 to %scan3A_317 step %scan3A_318  : i32 {
      %mul3A_533 = arith.constant 1 : i32
      %mul3A_534 = arith.muli %scan3A_532, %mul3A_533 : i32
      %add3A_535 = arith.constant 0 : i32
      %add3A_536 = arith.addi %add3A_535, %mul3A_534 : i32
      %mul3A_537 = arith.constant 2 : i32
      %mul3A_538 = arith.muli %mul3A_537, %add3A_536 : i32
      %add3A_539 = arith.constant 1 : i32
      %add3A_540 = arith.addi %mul3A_538, %add3A_539 : i32
      %dma_start3A_541 = arith.constant 0 : i32
      %dma_start3A_542 = arith.constant 0 : i32
      %dma_start3A_543 = tpu.memref_slice %arg6[%scan3A_313, %dma_start3A_541, %dma_start3A_542] : memref<2x50x50xi32, #tpu.memory_space<vmem>> -> memref<1x50x50xi32, #tpu.memory_space<vmem>>
      %dma_start3A_544 = tpu.memref_squeeze %dma_start3A_543 : memref<1x50x50xi32, #tpu.memory_space<vmem>> -> memref<50x50xi32, #tpu.memory_space<vmem>>
      %dma_start3A_545 = arith.constant 0 : i32
      %dma_start3A_546 = tpu.memref_slice %dma_start3A_544[%add3A_540, %dma_start3A_545] : memref<50x50xi32, #tpu.memory_space<vmem>> -> memref<1x50xi32, #tpu.memory_space<vmem>>
      %dma_start3A_547 = tpu.memref_squeeze %dma_start3A_546 : memref<1x50xi32, #tpu.memory_space<vmem>> -> memref<50xi32, #tpu.memory_space<vmem>>
      %dma_start3A_548 = arith.constant 0 : i32
      %dma_start3A_549 = arith.constant 0 : i32
      %dma_start3A_550 = tpu.memref_slice %arg2[%dma_start3A_548, %dma_start3A_549] : memref<10000x128xf32, #tpu.memory_space<hbm>> -> memref<10000x128xf32, #tpu.memory_space<hbm>>
      tpu.enqueue_indirect_dma source(%dma_start3A_550 : memref<10000x128xf32, #tpu.memory_space<hbm>>) target(%arg9 : memref<50x128xf32, #tpu.memory_space<vmem>>) offsets(%dma_start3A_547 : memref<50xi32, #tpu.memory_space<vmem>>) semaphore(%arg13 : memref<!tpu.dma_semaphore, #tpu.memory_space<semaphore_mem>>)
      %dma_wait3A_551 = arith.constant 0 : i32
      %dma_wait3A_552 = arith.constant 0 : i32
      %dma_wait3A_553 = arith.constant 0 : i32
      %dma_wait3A_554 = arith.constant 0 : i32
      %dma_wait3A_555 = tpu.memref_slice %arg6[%dma_wait3A_551, %dma_wait3A_553, %dma_wait3A_554] : memref<2x50x50xi32, #tpu.memory_space<vmem>> -> memref<1x50x50xi32, #tpu.memory_space<vmem>>
      %dma_wait3A_556 = tpu.memref_squeeze %dma_wait3A_555 : memref<1x50x50xi32, #tpu.memory_space<vmem>> -> memref<50x50xi32, #tpu.memory_space<vmem>>
      %dma_wait3A_557 = arith.constant 0 : i32
      %dma_wait3A_558 = tpu.memref_slice %dma_wait3A_556[%dma_wait3A_552, %dma_wait3A_557] : memref<50x50xi32, #tpu.memory_space<vmem>> -> memref<1x50xi32, #tpu.memory_space<vmem>>
      %dma_wait3A_559 = tpu.memref_squeeze %dma_wait3A_558 : memref<1x50xi32, #tpu.memory_space<vmem>> -> memref<50xi32, #tpu.memory_space<vmem>>
      %dma_wait3A_560 = arith.constant 0 : i32
      %dma_wait3A_561 = arith.constant 0 : i32
      %dma_wait3A_562 = tpu.memref_slice %arg2[%dma_wait3A_560, %dma_wait3A_561] : memref<10000x128xf32, #tpu.memory_space<hbm>> -> memref<10000x128xf32, #tpu.memory_space<hbm>>
      tpu.wait_indirect_dma semaphore(%arg12 : memref<!tpu.dma_semaphore, #tpu.memory_space<semaphore_mem>>) src(%dma_wait3A_562 : memref<10000x128xf32, #tpu.memory_space<hbm>>) dst(%arg8 : memref<50x128xf32, #tpu.memory_space<vmem>>)
      "tpu.region"() ({
        %run_scoped3A = tpu.sem_alloc : memref<!tpu.dma_semaphore, #tpu.memory_space<semaphore_mem>>
        %dma_start3A_583 = arith.constant 0 : i32
        %dma_start3A_584 = arith.constant 0 : i32
        %dma_start3A_585 = tpu.memref_slice %arg7[%scan3A_314, %dma_start3A_583, %dma_start3A_584] : memref<2x50x50xi32, #tpu.memory_space<vmem>> -> memref<1x50x50xi32, #tpu.memory_space<vmem>>
        %dma_start3A_586 = tpu.memref_squeeze %dma_start3A_585 : memref<1x50x50xi32, #tpu.memory_space<vmem>> -> memref<50x50xi32, #tpu.memory_space<vmem>>
        %dma_start3A_587 = arith.constant 0 : i32
        %dma_start3A_588 = tpu.memref_slice %dma_start3A_586[%mul3A_538, %dma_start3A_587] : memref<50x50xi32, #tpu.memory_space<vmem>> -> memref<1x50xi32, #tpu.memory_space<vmem>>
        %dma_start3A_589 = tpu.memref_squeeze %dma_start3A_588 : memref<1x50xi32, #tpu.memory_space<vmem>> -> memref<50xi32, #tpu.memory_space<vmem>>
        %dma_start3A_590 = arith.constant 0 : i32
        %dma_start3A_591 = arith.constant 0 : i32
        %dma_start3A_592 = tpu.memref_slice %arg10[%dma_start3A_590, %dma_start3A_591] : memref<10000x128xf32, #tpu.memory_space<vmem_shared>> -> memref<10000x128xf32, #tpu.memory_space<vmem_shared>>
        tpu.enqueue_indirect_dma source(%arg8 : memref<50x128xf32, #tpu.memory_space<vmem>>) target(%dma_start3A_592 : memref<10000x128xf32, #tpu.memory_space<vmem_shared>>) offsets(%dma_start3A_589 : memref<50xi32, #tpu.memory_space<vmem>>) semaphore(%run_scoped3A : memref<!tpu.dma_semaphore, #tpu.memory_space<semaphore_mem>>) {add = true}
        %dma_wait3A_593 = arith.constant 0 : i32
        %dma_wait3A_594 = arith.constant 0 : i32
        %dma_wait3A_595 = tpu.memref_slice %arg7[%scan3A_314, %dma_wait3A_593, %dma_wait3A_594] : memref<2x50x50xi32, #tpu.memory_space<vmem>> -> memref<1x50x50xi32, #tpu.memory_space<vmem>>
        %dma_wait3A_596 = tpu.memref_squeeze %dma_wait3A_595 : memref<1x50x50xi32, #tpu.memory_space<vmem>> -> memref<50x50xi32, #tpu.memory_space<vmem>>
        %dma_wait3A_597 = arith.constant 0 : i32
        %dma_wait3A_598 = tpu.memref_slice %dma_wait3A_596[%mul3A_538, %dma_wait3A_597] : memref<50x50xi32, #tpu.memory_space<vmem>> -> memref<1x50xi32, #tpu.memory_space<vmem>>
        %dma_wait3A_599 = tpu.memref_squeeze %dma_wait3A_598 : memref<1x50xi32, #tpu.memory_space<vmem>> -> memref<50xi32, #tpu.memory_space<vmem>>
        %dma_wait3A_600 = arith.constant 0 : i32
        %dma_wait3A_601 = arith.constant 0 : i32
        %dma_wait3A_602 = tpu.memref_slice %arg10[%dma_wait3A_600, %dma_wait3A_601] : memref<10000x128xf32, #tpu.memory_space<vmem_shared>> -> memref<10000x128xf32, #tpu.memory_space<vmem_shared>>
        tpu.wait_indirect_dma semaphore(%run_scoped3A : memref<!tpu.dma_semaphore, #tpu.memory_space<semaphore_mem>>) src(%arg8 : memref<50x128xf32, #tpu.memory_space<vmem>>) dst(%dma_wait3A_602 : memref<10000x128xf32, #tpu.memory_space<vmem_shared>>)
        tpu.yield
      }) : () -> ()
      %add3A_563 = arith.constant 2 : i32
      %add3A_564 = arith.addi %mul3A_538, %add3A_563 : i32
      %lt3A = arith.constant 50 : i32
      %lt3A_565 = arith.cmpi slt, %add3A_564, %lt3A : i32
      %convert_element_type3A_566 = arith.extui %lt3A_565 : i1 to i32
      %cond3A_567 = arith.constant 0 : i32
      %cond3A_568 = arith.cmpi ne, %convert_element_type3A_566, %cond3A_567 : i32
      scf.if %cond3A_568 {
        %add3A_583 = arith.constant 2 : i32
        %add3A_584 = arith.addi %mul3A_538, %add3A_583 : i32
        %dma_start3A_585 = arith.constant 0 : i32
        %dma_start3A_586 = arith.constant 0 : i32
        %dma_start3A_587 = tpu.memref_slice %arg6[%scan3A_313, %dma_start3A_585, %dma_start3A_586] : memref<2x50x50xi32, #tpu.memory_space<vmem>> -> memref<1x50x50xi32, #tpu.memory_space<vmem>>
        %dma_start3A_588 = tpu.memref_squeeze %dma_start3A_587 : memref<1x50x50xi32, #tpu.memory_space<vmem>> -> memref<50x50xi32, #tpu.memory_space<vmem>>
        %dma_start3A_589 = arith.constant 0 : i32
        %dma_start3A_590 = tpu.memref_slice %dma_start3A_588[%add3A_584, %dma_start3A_589] : memref<50x50xi32, #tpu.memory_space<vmem>> -> memref<1x50xi32, #tpu.memory_space<vmem>>
        %dma_start3A_591 = tpu.memref_squeeze %dma_start3A_590 : memref<1x50xi32, #tpu.memory_space<vmem>> -> memref<50xi32, #tpu.memory_space<vmem>>
        %dma_start3A_592 = arith.constant 0 : i32
        %dma_start3A_593 = arith.constant 0 : i32
        %dma_start3A_594 = tpu.memref_slice %arg2[%dma_start3A_592, %dma_start3A_593] : memref<10000x128xf32, #tpu.memory_space<hbm>> -> memref<10000x128xf32, #tpu.memory_space<hbm>>
        tpu.enqueue_indirect_dma source(%dma_start3A_594 : memref<10000x128xf32, #tpu.memory_space<hbm>>) target(%arg8 : memref<50x128xf32, #tpu.memory_space<vmem>>) offsets(%dma_start3A_591 : memref<50xi32, #tpu.memory_space<vmem>>) semaphore(%arg12 : memref<!tpu.dma_semaphore, #tpu.memory_space<semaphore_mem>>)
      } else {
      }
      %dma_wait3A_569 = arith.constant 0 : i32
      %dma_wait3A_570 = arith.constant 0 : i32
      %dma_wait3A_571 = arith.constant 0 : i32
      %dma_wait3A_572 = arith.constant 0 : i32
      %dma_wait3A_573 = tpu.memref_slice %arg6[%dma_wait3A_569, %dma_wait3A_571, %dma_wait3A_572] : memref<2x50x50xi32, #tpu.memory_space<vmem>> -> memref<1x50x50xi32, #tpu.memory_space<vmem>>
      %dma_wait3A_574 = tpu.memref_squeeze %dma_wait3A_573 : memref<1x50x50xi32, #tpu.memory_space<vmem>> -> memref<50x50xi32, #tpu.memory_space<vmem>>
      %dma_wait3A_575 = arith.constant 0 : i32
      %dma_wait3A_576 = tpu.memref_slice %dma_wait3A_574[%dma_wait3A_570, %dma_wait3A_575] : memref<50x50xi32, #tpu.memory_space<vmem>> -> memref<1x50xi32, #tpu.memory_space<vmem>>
      %dma_wait3A_577 = tpu.memref_squeeze %dma_wait3A_576 : memref<1x50xi32, #tpu.memory_space<vmem>> -> memref<50xi32, #tpu.memory_space<vmem>>
      %dma_wait3A_578 = arith.constant 0 : i32
      %dma_wait3A_579 = arith.constant 0 : i32
      %dma_wait3A_580 = tpu.memref_slice %arg2[%dma_wait3A_578, %dma_wait3A_579] : memref<10000x128xf32, #tpu.memory_space<hbm>> -> memref<10000x128xf32, #tpu.memory_space<hbm>>
      tpu.wait_indirect_dma semaphore(%arg13 : memref<!tpu.dma_semaphore, #tpu.memory_space<semaphore_mem>>) src(%dma_wait3A_580 : memref<10000x128xf32, #tpu.memory_space<hbm>>) dst(%arg9 : memref<50x128xf32, #tpu.memory_space<vmem>>)
      %add3A_581 = arith.constant 1 : i32
      %add3A_582 = arith.addi %mul3A_538, %add3A_581 : i32
      "tpu.region"() ({
        %run_scoped3A = tpu.sem_alloc : memref<!tpu.dma_semaphore, #tpu.memory_space<semaphore_mem>>
        %dma_start3A_583 = arith.constant 0 : i32
        %dma_start3A_584 = arith.constant 0 : i32
        %dma_start3A_585 = tpu.memref_slice %arg7[%scan3A_314, %dma_start3A_583, %dma_start3A_584] : memref<2x50x50xi32, #tpu.memory_space<vmem>> -> memref<1x50x50xi32, #tpu.memory_space<vmem>>
        %dma_start3A_586 = tpu.memref_squeeze %dma_start3A_585 : memref<1x50x50xi32, #tpu.memory_space<vmem>> -> memref<50x50xi32, #tpu.memory_space<vmem>>
        %dma_start3A_587 = arith.constant 0 : i32
        %dma_start3A_588 = tpu.memref_slice %dma_start3A_586[%add3A_582, %dma_start3A_587] : memref<50x50xi32, #tpu.memory_space<vmem>> -> memref<1x50xi32, #tpu.memory_space<vmem>>
        %dma_start3A_589 = tpu.memref_squeeze %dma_start3A_588 : memref<1x50xi32, #tpu.memory_space<vmem>> -> memref<50xi32, #tpu.memory_space<vmem>>
        %dma_start3A_590 = arith.constant 0 : i32
        %dma_start3A_591 = arith.constant 0 : i32
        %dma_start3A_592 = tpu.memref_slice %arg10[%dma_start3A_590, %dma_start3A_591] : memref<10000x128xf32, #tpu.memory_space<vmem_shared>> -> memref<10000x128xf32, #tpu.memory_space<vmem_shared>>
        tpu.enqueue_indirect_dma source(%arg9 : memref<50x128xf32, #tpu.memory_space<vmem>>) target(%dma_start3A_592 : memref<10000x128xf32, #tpu.memory_space<vmem_shared>>) offsets(%dma_start3A_589 : memref<50xi32, #tpu.memory_space<vmem>>) semaphore(%run_scoped3A : memref<!tpu.dma_semaphore, #tpu.memory_space<semaphore_mem>>) {add = true}
        %dma_wait3A_593 = arith.constant 0 : i32
        %dma_wait3A_594 = arith.constant 0 : i32
        %dma_wait3A_595 = tpu.memref_slice %arg7[%scan3A_314, %dma_wait3A_593, %dma_wait3A_594] : memref<2x50x50xi32, #tpu.memory_space<vmem>> -> memref<1x50x50xi32, #tpu.memory_space<vmem>>
        %dma_wait3A_596 = tpu.memref_squeeze %dma_wait3A_595 : memref<1x50x50xi32, #tpu.memory_space<vmem>> -> memref<50x50xi32, #tpu.memory_space<vmem>>
        %dma_wait3A_597 = arith.constant 0 : i32
        %dma_wait3A_598 = tpu.memref_slice %dma_wait3A_596[%add3A_582, %dma_wait3A_597] : memref<50x50xi32, #tpu.memory_space<vmem>> -> memref<1x50xi32, #tpu.memory_space<vmem>>
        %dma_wait3A_599 = tpu.memref_squeeze %dma_wait3A_598 : memref<1x50xi32, #tpu.memory_space<vmem>> -> memref<50xi32, #tpu.memory_space<vmem>>
        %dma_wait3A_600 = arith.constant 0 : i32
        %dma_wait3A_601 = arith.constant 0 : i32
        %dma_wait3A_602 = tpu.memref_slice %arg10[%dma_wait3A_600, %dma_wait3A_601] : memref<10000x128xf32, #tpu.memory_space<vmem_shared>> -> memref<10000x128xf32, #tpu.memory_space<vmem_shared>>
        tpu.wait_indirect_dma semaphore(%run_scoped3A : memref<!tpu.dma_semaphore, #tpu.memory_space<semaphore_mem>>) src(%arg9 : memref<50x128xf32, #tpu.memory_space<vmem>>) dst(%dma_wait3A_602 : memref<10000x128xf32, #tpu.memory_space<vmem_shared>>)
        tpu.yield
      }) : () -> ()
    }
    %scan3A_319 = arith.constant 25 : i32
    %dma_wait3A_320 = arith.constant 2 : i32
    %dma_wait3A_321 = arith.constant 0 : i32
    %dma_wait3A_322 = arith.constant 0 : i32
    %dma_wait3A_323 = arith.constant 0 : i32
    %dma_wait3A_324 = tpu.memref_slice %arg6[%dma_wait3A_321, %dma_wait3A_322, %dma_wait3A_323] : memref<2x50x50xi32, #tpu.memory_space<vmem>> -> memref<1x50x50xi32, #tpu.memory_space<vmem>>
    %dma_wait3A_325 = tpu.memref_squeeze %dma_wait3A_324 : memref<1x50x50xi32, #tpu.memory_space<vmem>> -> memref<50x50xi32, #tpu.memory_space<vmem>>
    %dma_wait3A_326 = arith.constant 0 : i32
    %dma_wait3A_327 = arith.constant 0 : i32
    %dma_wait3A_328 = arith.constant 0 : i32
    %dma_wait3A_329 = tpu.memref_slice %arg3[%add3A, %dma_wait3A_326, %dma_wait3A_327, %dma_wait3A_328] : memref<32x4x50x50xi32, #tpu.memory_space<hbm>> -> memref<1x4x50x50xi32, #tpu.memory_space<hbm>>
    %dma_wait3A_330 = tpu.memref_squeeze %dma_wait3A_329 : memref<1x4x50x50xi32, #tpu.memory_space<hbm>> -> memref<4x50x50xi32, #tpu.memory_space<hbm>>
    %dma_wait3A_331 = arith.constant 0 : i32
    %dma_wait3A_332 = arith.constant 0 : i32
    %dma_wait3A_333 = tpu.memref_slice %dma_wait3A_330[%dma_wait3A_320, %dma_wait3A_331, %dma_wait3A_332] : memref<4x50x50xi32, #tpu.memory_space<hbm>> -> memref<1x50x50xi32, #tpu.memory_space<hbm>>
    %dma_wait3A_334 = tpu.memref_squeeze %dma_wait3A_333 : memref<1x50x50xi32, #tpu.memory_space<hbm>> -> memref<50x50xi32, #tpu.memory_space<hbm>>
    %dma_wait3A_335 = arith.constant 0 : i32
    %dma_wait3A_336 = arith.constant 0 : i32
    %dma_wait3A_337 = tpu.memref_slice %arg6[%dma_wait3A_321, %dma_wait3A_335, %dma_wait3A_336] : memref<2x50x50xi32, #tpu.memory_space<vmem>> -> memref<1x50x50xi32, #tpu.memory_space<vmem>>
    %dma_wait3A_338 = tpu.memref_squeeze %dma_wait3A_337 : memref<1x50x50xi32, #tpu.memory_space<vmem>> -> memref<50x50xi32, #tpu.memory_space<vmem>>
    %dma_wait3A_339 = arith.constant 0 : i32
    %dma_wait3A_340 = arith.constant 0 : i32
    %dma_wait3A_341 = arith.constant 0 : i32
    %dma_wait3A_342 = tpu.memref_slice %arg3[%add3A, %dma_wait3A_339, %dma_wait3A_340, %dma_wait3A_341] : memref<32x4x50x50xi32, #tpu.memory_space<hbm>> -> memref<1x4x50x50xi32, #tpu.memory_space<hbm>>
    %dma_wait3A_343 = tpu.memref_squeeze %dma_wait3A_342 : memref<1x4x50x50xi32, #tpu.memory_space<hbm>> -> memref<4x50x50xi32, #tpu.memory_space<hbm>>
    %dma_wait3A_344 = arith.constant 0 : i32
    %dma_wait3A_345 = arith.constant 0 : i32
    %dma_wait3A_346 = tpu.memref_slice %dma_wait3A_343[%dma_wait3A_320, %dma_wait3A_344, %dma_wait3A_345] : memref<4x50x50xi32, #tpu.memory_space<hbm>> -> memref<1x50x50xi32, #tpu.memory_space<hbm>>
    %dma_wait3A_347 = tpu.memref_squeeze %dma_wait3A_346 : memref<1x50x50xi32, #tpu.memory_space<hbm>> -> memref<50x50xi32, #tpu.memory_space<hbm>>
    tpu.wait_dma2 semaphore(%arg11 : memref<!tpu.dma_semaphore, #tpu.memory_space<semaphore_mem>>) src(%dma_wait3A_347 : memref<50x50xi32, #tpu.memory_space<hbm>>) dst(%dma_wait3A_338 : memref<50x50xi32, #tpu.memory_space<vmem>>)
    %dma_wait3A_348 = arith.constant 2 : i32
    %dma_wait3A_349 = arith.constant 0 : i32
    %dma_wait3A_350 = arith.constant 0 : i32
    %dma_wait3A_351 = arith.constant 0 : i32
    %dma_wait3A_352 = tpu.memref_slice %arg7[%dma_wait3A_349, %dma_wait3A_350, %dma_wait3A_351] : memref<2x50x50xi32, #tpu.memory_space<vmem>> -> memref<1x50x50xi32, #tpu.memory_space<vmem>>
    %dma_wait3A_353 = tpu.memref_squeeze %dma_wait3A_352 : memref<1x50x50xi32, #tpu.memory_space<vmem>> -> memref<50x50xi32, #tpu.memory_space<vmem>>
    %dma_wait3A_354 = arith.constant 0 : i32
    %dma_wait3A_355 = arith.constant 0 : i32
    %dma_wait3A_356 = arith.constant 0 : i32
    %dma_wait3A_357 = tpu.memref_slice %arg4[%add3A, %dma_wait3A_354, %dma_wait3A_355, %dma_wait3A_356] : memref<32x4x50x50xi32, #tpu.memory_space<hbm>> -> memref<1x4x50x50xi32, #tpu.memory_space<hbm>>
    %dma_wait3A_358 = tpu.memref_squeeze %dma_wait3A_357 : memref<1x4x50x50xi32, #tpu.memory_space<hbm>> -> memref<4x50x50xi32, #tpu.memory_space<hbm>>
    %dma_wait3A_359 = arith.constant 0 : i32
    %dma_wait3A_360 = arith.constant 0 : i32
    %dma_wait3A_361 = tpu.memref_slice %dma_wait3A_358[%dma_wait3A_348, %dma_wait3A_359, %dma_wait3A_360] : memref<4x50x50xi32, #tpu.memory_space<hbm>> -> memref<1x50x50xi32, #tpu.memory_space<hbm>>
    %dma_wait3A_362 = tpu.memref_squeeze %dma_wait3A_361 : memref<1x50x50xi32, #tpu.memory_space<hbm>> -> memref<50x50xi32, #tpu.memory_space<hbm>>
    %dma_wait3A_363 = arith.constant 0 : i32
    %dma_wait3A_364 = arith.constant 0 : i32
    %dma_wait3A_365 = tpu.memref_slice %arg7[%dma_wait3A_349, %dma_wait3A_363, %dma_wait3A_364] : memref<2x50x50xi32, #tpu.memory_space<vmem>> -> memref<1x50x50xi32, #tpu.memory_space<vmem>>
    %dma_wait3A_366 = tpu.memref_squeeze %dma_wait3A_365 : memref<1x50x50xi32, #tpu.memory_space<vmem>> -> memref<50x50xi32, #tpu.memory_space<vmem>>
    %dma_wait3A_367 = arith.constant 0 : i32
    %dma_wait3A_368 = arith.constant 0 : i32
    %dma_wait3A_369 = arith.constant 0 : i32
    %dma_wait3A_370 = tpu.memref_slice %arg4[%add3A, %dma_wait3A_367, %dma_wait3A_368, %dma_wait3A_369] : memref<32x4x50x50xi32, #tpu.memory_space<hbm>> -> memref<1x4x50x50xi32, #tpu.memory_space<hbm>>
    %dma_wait3A_371 = tpu.memref_squeeze %dma_wait3A_370 : memref<1x4x50x50xi32, #tpu.memory_space<hbm>> -> memref<4x50x50xi32, #tpu.memory_space<hbm>>
    %dma_wait3A_372 = arith.constant 0 : i32
    %dma_wait3A_373 = arith.constant 0 : i32
    %dma_wait3A_374 = tpu.memref_slice %dma_wait3A_371[%dma_wait3A_348, %dma_wait3A_372, %dma_wait3A_373] : memref<4x50x50xi32, #tpu.memory_space<hbm>> -> memref<1x50x50xi32, #tpu.memory_space<hbm>>
    %dma_wait3A_375 = tpu.memref_squeeze %dma_wait3A_374 : memref<1x50x50xi32, #tpu.memory_space<hbm>> -> memref<50x50xi32, #tpu.memory_space<hbm>>
    tpu.wait_dma2 semaphore(%arg11 : memref<!tpu.dma_semaphore, #tpu.memory_space<semaphore_mem>>) src(%dma_wait3A_375 : memref<50x50xi32, #tpu.memory_space<hbm>>) dst(%dma_wait3A_366 : memref<50x50xi32, #tpu.memory_space<vmem>>)
    %dma_start3A_376 = arith.constant 3 : i32
    %dma_start3A_377 = arith.constant 1 : i32
    %dma_start3A_378 = arith.constant 0 : i32
    %dma_start3A_379 = arith.constant 0 : i32
    %dma_start3A_380 = tpu.memref_slice %arg6[%dma_start3A_377, %dma_start3A_378, %dma_start3A_379] : memref<2x50x50xi32, #tpu.memory_space<vmem>> -> memref<1x50x50xi32, #tpu.memory_space<vmem>>
    %dma_start3A_381 = tpu.memref_squeeze %dma_start3A_380 : memref<1x50x50xi32, #tpu.memory_space<vmem>> -> memref<50x50xi32, #tpu.memory_space<vmem>>
    %dma_start3A_382 = arith.constant 0 : i32
    %dma_start3A_383 = arith.constant 0 : i32
    %dma_start3A_384 = arith.constant 0 : i32
    %dma_start3A_385 = tpu.memref_slice %arg3[%add3A, %dma_start3A_382, %dma_start3A_383, %dma_start3A_384] : memref<32x4x50x50xi32, #tpu.memory_space<hbm>> -> memref<1x4x50x50xi32, #tpu.memory_space<hbm>>
    %dma_start3A_386 = tpu.memref_squeeze %dma_start3A_385 : memref<1x4x50x50xi32, #tpu.memory_space<hbm>> -> memref<4x50x50xi32, #tpu.memory_space<hbm>>
    %dma_start3A_387 = arith.constant 0 : i32
    %dma_start3A_388 = arith.constant 0 : i32
    %dma_start3A_389 = tpu.memref_slice %dma_start3A_386[%dma_start3A_376, %dma_start3A_387, %dma_start3A_388] : memref<4x50x50xi32, #tpu.memory_space<hbm>> -> memref<1x50x50xi32, #tpu.memory_space<hbm>>
    %dma_start3A_390 = tpu.memref_squeeze %dma_start3A_389 : memref<1x50x50xi32, #tpu.memory_space<hbm>> -> memref<50x50xi32, #tpu.memory_space<hbm>>
    %dma_start3A_391 = arith.constant 0 : i32
    %dma_start3A_392 = arith.constant 0 : i32
    %dma_start3A_393 = tpu.memref_slice %arg6[%dma_start3A_377, %dma_start3A_391, %dma_start3A_392] : memref<2x50x50xi32, #tpu.memory_space<vmem>> -> memref<1x50x50xi32, #tpu.memory_space<vmem>>
    %dma_start3A_394 = tpu.memref_squeeze %dma_start3A_393 : memref<1x50x50xi32, #tpu.memory_space<vmem>> -> memref<50x50xi32, #tpu.memory_space<vmem>>
    %dma_start3A_395 = arith.constant 0 : i32
    %dma_start3A_396 = arith.constant 0 : i32
    %dma_start3A_397 = arith.constant 0 : i32
    %dma_start3A_398 = tpu.memref_slice %arg3[%add3A, %dma_start3A_395, %dma_start3A_396, %dma_start3A_397] : memref<32x4x50x50xi32, #tpu.memory_space<hbm>> -> memref<1x4x50x50xi32, #tpu.memory_space<hbm>>
    %dma_start3A_399 = tpu.memref_squeeze %dma_start3A_398 : memref<1x4x50x50xi32, #tpu.memory_space<hbm>> -> memref<4x50x50xi32, #tpu.memory_space<hbm>>
    %dma_start3A_400 = arith.constant 0 : i32
    %dma_start3A_401 = arith.constant 0 : i32
    %dma_start3A_402 = tpu.memref_slice %dma_start3A_399[%dma_start3A_376, %dma_start3A_400, %dma_start3A_401] : memref<4x50x50xi32, #tpu.memory_space<hbm>> -> memref<1x50x50xi32, #tpu.memory_space<hbm>>
    %dma_start3A_403 = tpu.memref_squeeze %dma_start3A_402 : memref<1x50x50xi32, #tpu.memory_space<hbm>> -> memref<50x50xi32, #tpu.memory_space<hbm>>
    tpu.enqueue_dma source(%dma_start3A_403 : memref<50x50xi32, #tpu.memory_space<hbm>>) target(%dma_start3A_394 : memref<50x50xi32, #tpu.memory_space<vmem>>) target_semaphore(%arg11 : memref<!tpu.dma_semaphore, #tpu.memory_space<semaphore_mem>>)
    %dma_start3A_404 = arith.constant 3 : i32
    %dma_start3A_405 = arith.constant 1 : i32
    %dma_start3A_406 = arith.constant 0 : i32
    %dma_start3A_407 = arith.constant 0 : i32
    %dma_start3A_408 = tpu.memref_slice %arg7[%dma_start3A_405, %dma_start3A_406, %dma_start3A_407] : memref<2x50x50xi32, #tpu.memory_space<vmem>> -> memref<1x50x50xi32, #tpu.memory_space<vmem>>
    %dma_start3A_409 = tpu.memref_squeeze %dma_start3A_408 : memref<1x50x50xi32, #tpu.memory_space<vmem>> -> memref<50x50xi32, #tpu.memory_space<vmem>>
    %dma_start3A_410 = arith.constant 0 : i32
    %dma_start3A_411 = arith.constant 0 : i32
    %dma_start3A_412 = arith.constant 0 : i32
    %dma_start3A_413 = tpu.memref_slice %arg4[%add3A, %dma_start3A_410, %dma_start3A_411, %dma_start3A_412] : memref<32x4x50x50xi32, #tpu.memory_space<hbm>> -> memref<1x4x50x50xi32, #tpu.memory_space<hbm>>
    %dma_start3A_414 = tpu.memref_squeeze %dma_start3A_413 : memref<1x4x50x50xi32, #tpu.memory_space<hbm>> -> memref<4x50x50xi32, #tpu.memory_space<hbm>>
    %dma_start3A_415 = arith.constant 0 : i32
    %dma_start3A_416 = arith.constant 0 : i32
    %dma_start3A_417 = tpu.memref_slice %dma_start3A_414[%dma_start3A_404, %dma_start3A_415, %dma_start3A_416] : memref<4x50x50xi32, #tpu.memory_space<hbm>> -> memref<1x50x50xi32, #tpu.memory_space<hbm>>
    %dma_start3A_418 = tpu.memref_squeeze %dma_start3A_417 : memref<1x50x50xi32, #tpu.memory_space<hbm>> -> memref<50x50xi32, #tpu.memory_space<hbm>>
    %dma_start3A_419 = arith.constant 0 : i32
    %dma_start3A_420 = arith.constant 0 : i32
    %dma_start3A_421 = tpu.memref_slice %arg7[%dma_start3A_405, %dma_start3A_419, %dma_start3A_420] : memref<2x50x50xi32, #tpu.memory_space<vmem>> -> memref<1x50x50xi32, #tpu.memory_space<vmem>>
    %dma_start3A_422 = tpu.memref_squeeze %dma_start3A_421 : memref<1x50x50xi32, #tpu.memory_space<vmem>> -> memref<50x50xi32, #tpu.memory_space<vmem>>
    %dma_start3A_423 = arith.constant 0 : i32
    %dma_start3A_424 = arith.constant 0 : i32
    %dma_start3A_425 = arith.constant 0 : i32
    %dma_start3A_426 = tpu.memref_slice %arg4[%add3A, %dma_start3A_423, %dma_start3A_424, %dma_start3A_425] : memref<32x4x50x50xi32, #tpu.memory_space<hbm>> -> memref<1x4x50x50xi32, #tpu.memory_space<hbm>>
    %dma_start3A_427 = tpu.memref_squeeze %dma_start3A_426 : memref<1x4x50x50xi32, #tpu.memory_space<hbm>> -> memref<4x50x50xi32, #tpu.memory_space<hbm>>
    %dma_start3A_428 = arith.constant 0 : i32
    %dma_start3A_429 = arith.constant 0 : i32
    %dma_start3A_430 = tpu.memref_slice %dma_start3A_427[%dma_start3A_404, %dma_start3A_428, %dma_start3A_429] : memref<4x50x50xi32, #tpu.memory_space<hbm>> -> memref<1x50x50xi32, #tpu.memory_space<hbm>>
    %dma_start3A_431 = tpu.memref_squeeze %dma_start3A_430 : memref<1x50x50xi32, #tpu.memory_space<hbm>> -> memref<50x50xi32, #tpu.memory_space<hbm>>
    tpu.enqueue_dma source(%dma_start3A_431 : memref<50x50xi32, #tpu.memory_space<hbm>>) target(%dma_start3A_422 : memref<50x50xi32, #tpu.memory_space<vmem>>) target_semaphore(%arg11 : memref<!tpu.dma_semaphore, #tpu.memory_space<semaphore_mem>>)
    %dma_start3A_432 = arith.constant 0 : i32
    %dma_start3A_433 = arith.constant 0 : i32
    %dma_start3A_434 = arith.constant 0 : i32
    %dma_start3A_435 = arith.constant 0 : i32
    %dma_start3A_436 = tpu.memref_slice %arg6[%dma_start3A_432, %dma_start3A_434, %dma_start3A_435] : memref<2x50x50xi32, #tpu.memory_space<vmem>> -> memref<1x50x50xi32, #tpu.memory_space<vmem>>
    %dma_start3A_437 = tpu.memref_squeeze %dma_start3A_436 : memref<1x50x50xi32, #tpu.memory_space<vmem>> -> memref<50x50xi32, #tpu.memory_space<vmem>>
    %dma_start3A_438 = arith.constant 0 : i32
    %dma_start3A_439 = tpu.memref_slice %dma_start3A_437[%dma_start3A_433, %dma_start3A_438] : memref<50x50xi32, #tpu.memory_space<vmem>> -> memref<1x50xi32, #tpu.memory_space<vmem>>
    %dma_start3A_440 = tpu.memref_squeeze %dma_start3A_439 : memref<1x50xi32, #tpu.memory_space<vmem>> -> memref<50xi32, #tpu.memory_space<vmem>>
    %dma_start3A_441 = arith.constant 0 : i32
    %dma_start3A_442 = arith.constant 0 : i32
    %dma_start3A_443 = tpu.memref_slice %arg2[%dma_start3A_441, %dma_start3A_442] : memref<10000x128xf32, #tpu.memory_space<hbm>> -> memref<10000x128xf32, #tpu.memory_space<hbm>>
    tpu.enqueue_indirect_dma source(%dma_start3A_443 : memref<10000x128xf32, #tpu.memory_space<hbm>>) target(%arg8 : memref<50x128xf32, #tpu.memory_space<vmem>>) offsets(%dma_start3A_440 : memref<50xi32, #tpu.memory_space<vmem>>) semaphore(%arg12 : memref<!tpu.dma_semaphore, #tpu.memory_space<semaphore_mem>>)
    %scan3A_444 = arith.constant 0 : i32
    %scan3A_445 = arith.constant 0 : i32
    %scan3A_446 = arith.constant 0 : i32
    %scan3A_447 = arith.constant 25 : i32
    %scan3A_448 = arith.addi %scan3A_446, %scan3A_447 : i32
    %scan3A_449 = arith.constant 1 : i32
    scf.for %scan3A_532 = %scan3A_446 to %scan3A_448 step %scan3A_449  : i32 {
      %mul3A_533 = arith.constant 1 : i32
      %mul3A_534 = arith.muli %scan3A_532, %mul3A_533 : i32
      %add3A_535 = arith.constant 0 : i32
      %add3A_536 = arith.addi %add3A_535, %mul3A_534 : i32
      %mul3A_537 = arith.constant 2 : i32
      %mul3A_538 = arith.muli %mul3A_537, %add3A_536 : i32
      %add3A_539 = arith.constant 1 : i32
      %add3A_540 = arith.addi %mul3A_538, %add3A_539 : i32
      %dma_start3A_541 = arith.constant 0 : i32
      %dma_start3A_542 = arith.constant 0 : i32
      %dma_start3A_543 = tpu.memref_slice %arg6[%scan3A_444, %dma_start3A_541, %dma_start3A_542] : memref<2x50x50xi32, #tpu.memory_space<vmem>> -> memref<1x50x50xi32, #tpu.memory_space<vmem>>
      %dma_start3A_544 = tpu.memref_squeeze %dma_start3A_543 : memref<1x50x50xi32, #tpu.memory_space<vmem>> -> memref<50x50xi32, #tpu.memory_space<vmem>>
      %dma_start3A_545 = arith.constant 0 : i32
      %dma_start3A_546 = tpu.memref_slice %dma_start3A_544[%add3A_540, %dma_start3A_545] : memref<50x50xi32, #tpu.memory_space<vmem>> -> memref<1x50xi32, #tpu.memory_space<vmem>>
      %dma_start3A_547 = tpu.memref_squeeze %dma_start3A_546 : memref<1x50xi32, #tpu.memory_space<vmem>> -> memref<50xi32, #tpu.memory_space<vmem>>
      %dma_start3A_548 = arith.constant 0 : i32
      %dma_start3A_549 = arith.constant 0 : i32
      %dma_start3A_550 = tpu.memref_slice %arg2[%dma_start3A_548, %dma_start3A_549] : memref<10000x128xf32, #tpu.memory_space<hbm>> -> memref<10000x128xf32, #tpu.memory_space<hbm>>
      tpu.enqueue_indirect_dma source(%dma_start3A_550 : memref<10000x128xf32, #tpu.memory_space<hbm>>) target(%arg9 : memref<50x128xf32, #tpu.memory_space<vmem>>) offsets(%dma_start3A_547 : memref<50xi32, #tpu.memory_space<vmem>>) semaphore(%arg13 : memref<!tpu.dma_semaphore, #tpu.memory_space<semaphore_mem>>)
      %dma_wait3A_551 = arith.constant 0 : i32
      %dma_wait3A_552 = arith.constant 0 : i32
      %dma_wait3A_553 = arith.constant 0 : i32
      %dma_wait3A_554 = arith.constant 0 : i32
      %dma_wait3A_555 = tpu.memref_slice %arg6[%dma_wait3A_551, %dma_wait3A_553, %dma_wait3A_554] : memref<2x50x50xi32, #tpu.memory_space<vmem>> -> memref<1x50x50xi32, #tpu.memory_space<vmem>>
      %dma_wait3A_556 = tpu.memref_squeeze %dma_wait3A_555 : memref<1x50x50xi32, #tpu.memory_space<vmem>> -> memref<50x50xi32, #tpu.memory_space<vmem>>
      %dma_wait3A_557 = arith.constant 0 : i32
      %dma_wait3A_558 = tpu.memref_slice %dma_wait3A_556[%dma_wait3A_552, %dma_wait3A_557] : memref<50x50xi32, #tpu.memory_space<vmem>> -> memref<1x50xi32, #tpu.memory_space<vmem>>
      %dma_wait3A_559 = tpu.memref_squeeze %dma_wait3A_558 : memref<1x50xi32, #tpu.memory_space<vmem>> -> memref<50xi32, #tpu.memory_space<vmem>>
      %dma_wait3A_560 = arith.constant 0 : i32
      %dma_wait3A_561 = arith.constant 0 : i32
      %dma_wait3A_562 = tpu.memref_slice %arg2[%dma_wait3A_560, %dma_wait3A_561] : memref<10000x128xf32, #tpu.memory_space<hbm>> -> memref<10000x128xf32, #tpu.memory_space<hbm>>
      tpu.wait_indirect_dma semaphore(%arg12 : memref<!tpu.dma_semaphore, #tpu.memory_space<semaphore_mem>>) src(%dma_wait3A_562 : memref<10000x128xf32, #tpu.memory_space<hbm>>) dst(%arg8 : memref<50x128xf32, #tpu.memory_space<vmem>>)
      "tpu.region"() ({
        %run_scoped3A = tpu.sem_alloc : memref<!tpu.dma_semaphore, #tpu.memory_space<semaphore_mem>>
        %dma_start3A_583 = arith.constant 0 : i32
        %dma_start3A_584 = arith.constant 0 : i32
        %dma_start3A_585 = tpu.memref_slice %arg7[%scan3A_445, %dma_start3A_583, %dma_start3A_584] : memref<2x50x50xi32, #tpu.memory_space<vmem>> -> memref<1x50x50xi32, #tpu.memory_space<vmem>>
        %dma_start3A_586 = tpu.memref_squeeze %dma_start3A_585 : memref<1x50x50xi32, #tpu.memory_space<vmem>> -> memref<50x50xi32, #tpu.memory_space<vmem>>
        %dma_start3A_587 = arith.constant 0 : i32
        %dma_start3A_588 = tpu.memref_slice %dma_start3A_586[%mul3A_538, %dma_start3A_587] : memref<50x50xi32, #tpu.memory_space<vmem>> -> memref<1x50xi32, #tpu.memory_space<vmem>>
        %dma_start3A_589 = tpu.memref_squeeze %dma_start3A_588 : memref<1x50xi32, #tpu.memory_space<vmem>> -> memref<50xi32, #tpu.memory_space<vmem>>
        %dma_start3A_590 = arith.constant 0 : i32
        %dma_start3A_591 = arith.constant 0 : i32
        %dma_start3A_592 = tpu.memref_slice %arg10[%dma_start3A_590, %dma_start3A_591] : memref<10000x128xf32, #tpu.memory_space<vmem_shared>> -> memref<10000x128xf32, #tpu.memory_space<vmem_shared>>
        tpu.enqueue_indirect_dma source(%arg8 : memref<50x128xf32, #tpu.memory_space<vmem>>) target(%dma_start3A_592 : memref<10000x128xf32, #tpu.memory_space<vmem_shared>>) offsets(%dma_start3A_589 : memref<50xi32, #tpu.memory_space<vmem>>) semaphore(%run_scoped3A : memref<!tpu.dma_semaphore, #tpu.memory_space<semaphore_mem>>) {add = true}
        %dma_wait3A_593 = arith.constant 0 : i32
        %dma_wait3A_594 = arith.constant 0 : i32
        %dma_wait3A_595 = tpu.memref_slice %arg7[%scan3A_445, %dma_wait3A_593, %dma_wait3A_594] : memref<2x50x50xi32, #tpu.memory_space<vmem>> -> memref<1x50x50xi32, #tpu.memory_space<vmem>>
        %dma_wait3A_596 = tpu.memref_squeeze %dma_wait3A_595 : memref<1x50x50xi32, #tpu.memory_space<vmem>> -> memref<50x50xi32, #tpu.memory_space<vmem>>
        %dma_wait3A_597 = arith.constant 0 : i32
        %dma_wait3A_598 = tpu.memref_slice %dma_wait3A_596[%mul3A_538, %dma_wait3A_597] : memref<50x50xi32, #tpu.memory_space<vmem>> -> memref<1x50xi32, #tpu.memory_space<vmem>>
        %dma_wait3A_599 = tpu.memref_squeeze %dma_wait3A_598 : memref<1x50xi32, #tpu.memory_space<vmem>> -> memref<50xi32, #tpu.memory_space<vmem>>
        %dma_wait3A_600 = arith.constant 0 : i32
        %dma_wait3A_601 = arith.constant 0 : i32
        %dma_wait3A_602 = tpu.memref_slice %arg10[%dma_wait3A_600, %dma_wait3A_601] : memref<10000x128xf32, #tpu.memory_space<vmem_shared>> -> memref<10000x128xf32, #tpu.memory_space<vmem_shared>>
        tpu.wait_indirect_dma semaphore(%run_scoped3A : memref<!tpu.dma_semaphore, #tpu.memory_space<semaphore_mem>>) src(%arg8 : memref<50x128xf32, #tpu.memory_space<vmem>>) dst(%dma_wait3A_602 : memref<10000x128xf32, #tpu.memory_space<vmem_shared>>)
        tpu.yield
      }) : () -> ()
      %add3A_563 = arith.constant 2 : i32
      %add3A_564 = arith.addi %mul3A_538, %add3A_563 : i32
      %lt3A = arith.constant 50 : i32
      %lt3A_565 = arith.cmpi slt, %add3A_564, %lt3A : i32
      %convert_element_type3A_566 = arith.extui %lt3A_565 : i1 to i32
      %cond3A_567 = arith.constant 0 : i32
      %cond3A_568 = arith.cmpi ne, %convert_element_type3A_566, %cond3A_567 : i32
      scf.if %cond3A_568 {
        %add3A_583 = arith.constant 2 : i32
        %add3A_584 = arith.addi %mul3A_538, %add3A_583 : i32
        %dma_start3A_585 = arith.constant 0 : i32
        %dma_start3A_586 = arith.constant 0 : i32
        %dma_start3A_587 = tpu.memref_slice %arg6[%scan3A_444, %dma_start3A_585, %dma_start3A_586] : memref<2x50x50xi32, #tpu.memory_space<vmem>> -> memref<1x50x50xi32, #tpu.memory_space<vmem>>
        %dma_start3A_588 = tpu.memref_squeeze %dma_start3A_587 : memref<1x50x50xi32, #tpu.memory_space<vmem>> -> memref<50x50xi32, #tpu.memory_space<vmem>>
        %dma_start3A_589 = arith.constant 0 : i32
        %dma_start3A_590 = tpu.memref_slice %dma_start3A_588[%add3A_584, %dma_start3A_589] : memref<50x50xi32, #tpu.memory_space<vmem>> -> memref<1x50xi32, #tpu.memory_space<vmem>>
        %dma_start3A_591 = tpu.memref_squeeze %dma_start3A_590 : memref<1x50xi32, #tpu.memory_space<vmem>> -> memref<50xi32, #tpu.memory_space<vmem>>
        %dma_start3A_592 = arith.constant 0 : i32
        %dma_start3A_593 = arith.constant 0 : i32
        %dma_start3A_594 = tpu.memref_slice %arg2[%dma_start3A_592, %dma_start3A_593] : memref<10000x128xf32, #tpu.memory_space<hbm>> -> memref<10000x128xf32, #tpu.memory_space<hbm>>
        tpu.enqueue_indirect_dma source(%dma_start3A_594 : memref<10000x128xf32, #tpu.memory_space<hbm>>) target(%arg8 : memref<50x128xf32, #tpu.memory_space<vmem>>) offsets(%dma_start3A_591 : memref<50xi32, #tpu.memory_space<vmem>>) semaphore(%arg12 : memref<!tpu.dma_semaphore, #tpu.memory_space<semaphore_mem>>)
      } else {
      }
      %dma_wait3A_569 = arith.constant 0 : i32
      %dma_wait3A_570 = arith.constant 0 : i32
      %dma_wait3A_571 = arith.constant 0 : i32
      %dma_wait3A_572 = arith.constant 0 : i32
      %dma_wait3A_573 = tpu.memref_slice %arg6[%dma_wait3A_569, %dma_wait3A_571, %dma_wait3A_572] : memref<2x50x50xi32, #tpu.memory_space<vmem>> -> memref<1x50x50xi32, #tpu.memory_space<vmem>>
      %dma_wait3A_574 = tpu.memref_squeeze %dma_wait3A_573 : memref<1x50x50xi32, #tpu.memory_space<vmem>> -> memref<50x50xi32, #tpu.memory_space<vmem>>
      %dma_wait3A_575 = arith.constant 0 : i32
      %dma_wait3A_576 = tpu.memref_slice %dma_wait3A_574[%dma_wait3A_570, %dma_wait3A_575] : memref<50x50xi32, #tpu.memory_space<vmem>> -> memref<1x50xi32, #tpu.memory_space<vmem>>
      %dma_wait3A_577 = tpu.memref_squeeze %dma_wait3A_576 : memref<1x50xi32, #tpu.memory_space<vmem>> -> memref<50xi32, #tpu.memory_space<vmem>>
      %dma_wait3A_578 = arith.constant 0 : i32
      %dma_wait3A_579 = arith.constant 0 : i32
      %dma_wait3A_580 = tpu.memref_slice %arg2[%dma_wait3A_578, %dma_wait3A_579] : memref<10000x128xf32, #tpu.memory_space<hbm>> -> memref<10000x128xf32, #tpu.memory_space<hbm>>
      tpu.wait_indirect_dma semaphore(%arg13 : memref<!tpu.dma_semaphore, #tpu.memory_space<semaphore_mem>>) src(%dma_wait3A_580 : memref<10000x128xf32, #tpu.memory_space<hbm>>) dst(%arg9 : memref<50x128xf32, #tpu.memory_space<vmem>>)
      %add3A_581 = arith.constant 1 : i32
      %add3A_582 = arith.addi %mul3A_538, %add3A_581 : i32
      "tpu.region"() ({
        %run_scoped3A = tpu.sem_alloc : memref<!tpu.dma_semaphore, #tpu.memory_space<semaphore_mem>>
        %dma_start3A_583 = arith.constant 0 : i32
        %dma_start3A_584 = arith.constant 0 : i32
        %dma_start3A_585 = tpu.memref_slice %arg7[%scan3A_445, %dma_start3A_583, %dma_start3A_584] : memref<2x50x50xi32, #tpu.memory_space<vmem>> -> memref<1x50x50xi32, #tpu.memory_space<vmem>>
        %dma_start3A_586 = tpu.memref_squeeze %dma_start3A_585 : memref<1x50x50xi32, #tpu.memory_space<vmem>> -> memref<50x50xi32, #tpu.memory_space<vmem>>
        %dma_start3A_587 = arith.constant 0 : i32
        %dma_start3A_588 = tpu.memref_slice %dma_start3A_586[%add3A_582, %dma_start3A_587] : memref<50x50xi32, #tpu.memory_space<vmem>> -> memref<1x50xi32, #tpu.memory_space<vmem>>
        %dma_start3A_589 = tpu.memref_squeeze %dma_start3A_588 : memref<1x50xi32, #tpu.memory_space<vmem>> -> memref<50xi32, #tpu.memory_space<vmem>>
        %dma_start3A_590 = arith.constant 0 : i32
        %dma_start3A_591 = arith.constant 0 : i32
        %dma_start3A_592 = tpu.memref_slice %arg10[%dma_start3A_590, %dma_start3A_591] : memref<10000x128xf32, #tpu.memory_space<vmem_shared>> -> memref<10000x128xf32, #tpu.memory_space<vmem_shared>>
        tpu.enqueue_indirect_dma source(%arg9 : memref<50x128xf32, #tpu.memory_space<vmem>>) target(%dma_start3A_592 : memref<10000x128xf32, #tpu.memory_space<vmem_shared>>) offsets(%dma_start3A_589 : memref<50xi32, #tpu.memory_space<vmem>>) semaphore(%run_scoped3A : memref<!tpu.dma_semaphore, #tpu.memory_space<semaphore_mem>>) {add = true}
        %dma_wait3A_593 = arith.constant 0 : i32
        %dma_wait3A_594 = arith.constant 0 : i32
        %dma_wait3A_595 = tpu.memref_slice %arg7[%scan3A_445, %dma_wait3A_593, %dma_wait3A_594] : memref<2x50x50xi32, #tpu.memory_space<vmem>> -> memref<1x50x50xi32, #tpu.memory_space<vmem>>
        %dma_wait3A_596 = tpu.memref_squeeze %dma_wait3A_595 : memref<1x50x50xi32, #tpu.memory_space<vmem>> -> memref<50x50xi32, #tpu.memory_space<vmem>>
        %dma_wait3A_597 = arith.constant 0 : i32
        %dma_wait3A_598 = tpu.memref_slice %dma_wait3A_596[%add3A_582, %dma_wait3A_597] : memref<50x50xi32, #tpu.memory_space<vmem>> -> memref<1x50xi32, #tpu.memory_space<vmem>>
        %dma_wait3A_599 = tpu.memref_squeeze %dma_wait3A_598 : memref<1x50xi32, #tpu.memory_space<vmem>> -> memref<50xi32, #tpu.memory_space<vmem>>
        %dma_wait3A_600 = arith.constant 0 : i32
        %dma_wait3A_601 = arith.constant 0 : i32
        %dma_wait3A_602 = tpu.memref_slice %arg10[%dma_wait3A_600, %dma_wait3A_601] : memref<10000x128xf32, #tpu.memory_space<vmem_shared>> -> memref<10000x128xf32, #tpu.memory_space<vmem_shared>>
        tpu.wait_indirect_dma semaphore(%run_scoped3A : memref<!tpu.dma_semaphore, #tpu.memory_space<semaphore_mem>>) src(%arg9 : memref<50x128xf32, #tpu.memory_space<vmem>>) dst(%dma_wait3A_602 : memref<10000x128xf32, #tpu.memory_space<vmem_shared>>)
        tpu.yield
      }) : () -> ()
    }
    %scan3A_450 = arith.constant 25 : i32
    %dma_wait3A_451 = arith.constant 3 : i32
    %dma_wait3A_452 = arith.constant 1 : i32
    %dma_wait3A_453 = arith.constant 0 : i32
    %dma_wait3A_454 = arith.constant 0 : i32
    %dma_wait3A_455 = tpu.memref_slice %arg6[%dma_wait3A_452, %dma_wait3A_453, %dma_wait3A_454] : memref<2x50x50xi32, #tpu.memory_space<vmem>> -> memref<1x50x50xi32, #tpu.memory_space<vmem>>
    %dma_wait3A_456 = tpu.memref_squeeze %dma_wait3A_455 : memref<1x50x50xi32, #tpu.memory_space<vmem>> -> memref<50x50xi32, #tpu.memory_space<vmem>>
    %dma_wait3A_457 = arith.constant 0 : i32
    %dma_wait3A_458 = arith.constant 0 : i32
    %dma_wait3A_459 = arith.constant 0 : i32
    %dma_wait3A_460 = tpu.memref_slice %arg3[%add3A, %dma_wait3A_457, %dma_wait3A_458, %dma_wait3A_459] : memref<32x4x50x50xi32, #tpu.memory_space<hbm>> -> memref<1x4x50x50xi32, #tpu.memory_space<hbm>>
    %dma_wait3A_461 = tpu.memref_squeeze %dma_wait3A_460 : memref<1x4x50x50xi32, #tpu.memory_space<hbm>> -> memref<4x50x50xi32, #tpu.memory_space<hbm>>
    %dma_wait3A_462 = arith.constant 0 : i32
    %dma_wait3A_463 = arith.constant 0 : i32
    %dma_wait3A_464 = tpu.memref_slice %dma_wait3A_461[%dma_wait3A_451, %dma_wait3A_462, %dma_wait3A_463] : memref<4x50x50xi32, #tpu.memory_space<hbm>> -> memref<1x50x50xi32, #tpu.memory_space<hbm>>
    %dma_wait3A_465 = tpu.memref_squeeze %dma_wait3A_464 : memref<1x50x50xi32, #tpu.memory_space<hbm>> -> memref<50x50xi32, #tpu.memory_space<hbm>>
    %dma_wait3A_466 = arith.constant 0 : i32
    %dma_wait3A_467 = arith.constant 0 : i32
    %dma_wait3A_468 = tpu.memref_slice %arg6[%dma_wait3A_452, %dma_wait3A_466, %dma_wait3A_467] : memref<2x50x50xi32, #tpu.memory_space<vmem>> -> memref<1x50x50xi32, #tpu.memory_space<vmem>>
    %dma_wait3A_469 = tpu.memref_squeeze %dma_wait3A_468 : memref<1x50x50xi32, #tpu.memory_space<vmem>> -> memref<50x50xi32, #tpu.memory_space<vmem>>
    %dma_wait3A_470 = arith.constant 0 : i32
    %dma_wait3A_471 = arith.constant 0 : i32
    %dma_wait3A_472 = arith.constant 0 : i32
    %dma_wait3A_473 = tpu.memref_slice %arg3[%add3A, %dma_wait3A_470, %dma_wait3A_471, %dma_wait3A_472] : memref<32x4x50x50xi32, #tpu.memory_space<hbm>> -> memref<1x4x50x50xi32, #tpu.memory_space<hbm>>
    %dma_wait3A_474 = tpu.memref_squeeze %dma_wait3A_473 : memref<1x4x50x50xi32, #tpu.memory_space<hbm>> -> memref<4x50x50xi32, #tpu.memory_space<hbm>>
    %dma_wait3A_475 = arith.constant 0 : i32
    %dma_wait3A_476 = arith.constant 0 : i32
    %dma_wait3A_477 = tpu.memref_slice %dma_wait3A_474[%dma_wait3A_451, %dma_wait3A_475, %dma_wait3A_476] : memref<4x50x50xi32, #tpu.memory_space<hbm>> -> memref<1x50x50xi32, #tpu.memory_space<hbm>>
    %dma_wait3A_478 = tpu.memref_squeeze %dma_wait3A_477 : memref<1x50x50xi32, #tpu.memory_space<hbm>> -> memref<50x50xi32, #tpu.memory_space<hbm>>
    tpu.wait_dma2 semaphore(%arg11 : memref<!tpu.dma_semaphore, #tpu.memory_space<semaphore_mem>>) src(%dma_wait3A_478 : memref<50x50xi32, #tpu.memory_space<hbm>>) dst(%dma_wait3A_469 : memref<50x50xi32, #tpu.memory_space<vmem>>)
    %dma_wait3A_479 = arith.constant 3 : i32
    %dma_wait3A_480 = arith.constant 1 : i32
    %dma_wait3A_481 = arith.constant 0 : i32
    %dma_wait3A_482 = arith.constant 0 : i32
    %dma_wait3A_483 = tpu.memref_slice %arg7[%dma_wait3A_480, %dma_wait3A_481, %dma_wait3A_482] : memref<2x50x50xi32, #tpu.memory_space<vmem>> -> memref<1x50x50xi32, #tpu.memory_space<vmem>>
    %dma_wait3A_484 = tpu.memref_squeeze %dma_wait3A_483 : memref<1x50x50xi32, #tpu.memory_space<vmem>> -> memref<50x50xi32, #tpu.memory_space<vmem>>
    %dma_wait3A_485 = arith.constant 0 : i32
    %dma_wait3A_486 = arith.constant 0 : i32
    %dma_wait3A_487 = arith.constant 0 : i32
    %dma_wait3A_488 = tpu.memref_slice %arg4[%add3A, %dma_wait3A_485, %dma_wait3A_486, %dma_wait3A_487] : memref<32x4x50x50xi32, #tpu.memory_space<hbm>> -> memref<1x4x50x50xi32, #tpu.memory_space<hbm>>
    %dma_wait3A_489 = tpu.memref_squeeze %dma_wait3A_488 : memref<1x4x50x50xi32, #tpu.memory_space<hbm>> -> memref<4x50x50xi32, #tpu.memory_space<hbm>>
    %dma_wait3A_490 = arith.constant 0 : i32
    %dma_wait3A_491 = arith.constant 0 : i32
    %dma_wait3A_492 = tpu.memref_slice %dma_wait3A_489[%dma_wait3A_479, %dma_wait3A_490, %dma_wait3A_491] : memref<4x50x50xi32, #tpu.memory_space<hbm>> -> memref<1x50x50xi32, #tpu.memory_space<hbm>>
    %dma_wait3A_493 = tpu.memref_squeeze %dma_wait3A_492 : memref<1x50x50xi32, #tpu.memory_space<hbm>> -> memref<50x50xi32, #tpu.memory_space<hbm>>
    %dma_wait3A_494 = arith.constant 0 : i32
    %dma_wait3A_495 = arith.constant 0 : i32
    %dma_wait3A_496 = tpu.memref_slice %arg7[%dma_wait3A_480, %dma_wait3A_494, %dma_wait3A_495] : memref<2x50x50xi32, #tpu.memory_space<vmem>> -> memref<1x50x50xi32, #tpu.memory_space<vmem>>
    %dma_wait3A_497 = tpu.memref_squeeze %dma_wait3A_496 : memref<1x50x50xi32, #tpu.memory_space<vmem>> -> memref<50x50xi32, #tpu.memory_space<vmem>>
    %dma_wait3A_498 = arith.constant 0 : i32
    %dma_wait3A_499 = arith.constant 0 : i32
    %dma_wait3A_500 = arith.constant 0 : i32
    %dma_wait3A_501 = tpu.memref_slice %arg4[%add3A, %dma_wait3A_498, %dma_wait3A_499, %dma_wait3A_500] : memref<32x4x50x50xi32, #tpu.memory_space<hbm>> -> memref<1x4x50x50xi32, #tpu.memory_space<hbm>>
    %dma_wait3A_502 = tpu.memref_squeeze %dma_wait3A_501 : memref<1x4x50x50xi32, #tpu.memory_space<hbm>> -> memref<4x50x50xi32, #tpu.memory_space<hbm>>
    %dma_wait3A_503 = arith.constant 0 : i32
    %dma_wait3A_504 = arith.constant 0 : i32
    %dma_wait3A_505 = tpu.memref_slice %dma_wait3A_502[%dma_wait3A_479, %dma_wait3A_503, %dma_wait3A_504] : memref<4x50x50xi32, #tpu.memory_space<hbm>> -> memref<1x50x50xi32, #tpu.memory_space<hbm>>
    %dma_wait3A_506 = tpu.memref_squeeze %dma_wait3A_505 : memref<1x50x50xi32, #tpu.memory_space<hbm>> -> memref<50x50xi32, #tpu.memory_space<hbm>>
    tpu.wait_dma2 semaphore(%arg11 : memref<!tpu.dma_semaphore, #tpu.memory_space<semaphore_mem>>) src(%dma_wait3A_506 : memref<50x50xi32, #tpu.memory_space<hbm>>) dst(%dma_wait3A_497 : memref<50x50xi32, #tpu.memory_space<vmem>>)
    %dma_start3A_507 = arith.constant 1 : i32
    %dma_start3A_508 = arith.constant 0 : i32
    %dma_start3A_509 = arith.constant 0 : i32
    %dma_start3A_510 = arith.constant 0 : i32
    %dma_start3A_511 = tpu.memref_slice %arg6[%dma_start3A_507, %dma_start3A_509, %dma_start3A_510] : memref<2x50x50xi32, #tpu.memory_space<vmem>> -> memref<1x50x50xi32, #tpu.memory_space<vmem>>
    %dma_start3A_512 = tpu.memref_squeeze %dma_start3A_511 : memref<1x50x50xi32, #tpu.memory_space<vmem>> -> memref<50x50xi32, #tpu.memory_space<vmem>>
    %dma_start3A_513 = arith.constant 0 : i32
    %dma_start3A_514 = tpu.memref_slice %dma_start3A_512[%dma_start3A_508, %dma_start3A_513] : memref<50x50xi32, #tpu.memory_space<vmem>> -> memref<1x50xi32, #tpu.memory_space<vmem>>
    %dma_start3A_515 = tpu.memref_squeeze %dma_start3A_514 : memref<1x50xi32, #tpu.memory_space<vmem>> -> memref<50xi32, #tpu.memory_space<vmem>>
    %dma_start3A_516 = arith.constant 0 : i32
    %dma_start3A_517 = arith.constant 0 : i32
    %dma_start3A_518 = tpu.memref_slice %arg2[%dma_start3A_516, %dma_start3A_517] : memref<10000x128xf32, #tpu.memory_space<hbm>> -> memref<10000x128xf32, #tpu.memory_space<hbm>>
    tpu.enqueue_indirect_dma source(%dma_start3A_518 : memref<10000x128xf32, #tpu.memory_space<hbm>>) target(%arg8 : memref<50x128xf32, #tpu.memory_space<vmem>>) offsets(%dma_start3A_515 : memref<50xi32, #tpu.memory_space<vmem>>) semaphore(%arg12 : memref<!tpu.dma_semaphore, #tpu.memory_space<semaphore_mem>>)
    %scan3A_519 = arith.constant 1 : i32
    %scan3A_520 = arith.constant 1 : i32
    %scan3A_521 = arith.constant 0 : i32
    %scan3A_522 = arith.constant 25 : i32
    %scan3A_523 = arith.addi %scan3A_521, %scan3A_522 : i32
    %scan3A_524 = arith.constant 1 : i32
    scf.for %scan3A_532 = %scan3A_521 to %scan3A_523 step %scan3A_524  : i32 {
      %mul3A_533 = arith.constant 1 : i32
      %mul3A_534 = arith.muli %scan3A_532, %mul3A_533 : i32
      %add3A_535 = arith.constant 0 : i32
      %add3A_536 = arith.addi %add3A_535, %mul3A_534 : i32
      %mul3A_537 = arith.constant 2 : i32
      %mul3A_538 = arith.muli %mul3A_537, %add3A_536 : i32
      %add3A_539 = arith.constant 1 : i32
      %add3A_540 = arith.addi %mul3A_538, %add3A_539 : i32
      %dma_start3A_541 = arith.constant 0 : i32
      %dma_start3A_542 = arith.constant 0 : i32
      %dma_start3A_543 = tpu.memref_slice %arg6[%scan3A_519, %dma_start3A_541, %dma_start3A_542] : memref<2x50x50xi32, #tpu.memory_space<vmem>> -> memref<1x50x50xi32, #tpu.memory_space<vmem>>
      %dma_start3A_544 = tpu.memref_squeeze %dma_start3A_543 : memref<1x50x50xi32, #tpu.memory_space<vmem>> -> memref<50x50xi32, #tpu.memory_space<vmem>>
      %dma_start3A_545 = arith.constant 0 : i32
      %dma_start3A_546 = tpu.memref_slice %dma_start3A_544[%add3A_540, %dma_start3A_545] : memref<50x50xi32, #tpu.memory_space<vmem>> -> memref<1x50xi32, #tpu.memory_space<vmem>>
      %dma_start3A_547 = tpu.memref_squeeze %dma_start3A_546 : memref<1x50xi32, #tpu.memory_space<vmem>> -> memref<50xi32, #tpu.memory_space<vmem>>
      %dma_start3A_548 = arith.constant 0 : i32
      %dma_start3A_549 = arith.constant 0 : i32
      %dma_start3A_550 = tpu.memref_slice %arg2[%dma_start3A_548, %dma_start3A_549] : memref<10000x128xf32, #tpu.memory_space<hbm>> -> memref<10000x128xf32, #tpu.memory_space<hbm>>
      tpu.enqueue_indirect_dma source(%dma_start3A_550 : memref<10000x128xf32, #tpu.memory_space<hbm>>) target(%arg9 : memref<50x128xf32, #tpu.memory_space<vmem>>) offsets(%dma_start3A_547 : memref<50xi32, #tpu.memory_space<vmem>>) semaphore(%arg13 : memref<!tpu.dma_semaphore, #tpu.memory_space<semaphore_mem>>)
      %dma_wait3A_551 = arith.constant 0 : i32
      %dma_wait3A_552 = arith.constant 0 : i32
      %dma_wait3A_553 = arith.constant 0 : i32
      %dma_wait3A_554 = arith.constant 0 : i32
      %dma_wait3A_555 = tpu.memref_slice %arg6[%dma_wait3A_551, %dma_wait3A_553, %dma_wait3A_554] : memref<2x50x50xi32, #tpu.memory_space<vmem>> -> memref<1x50x50xi32, #tpu.memory_space<vmem>>
      %dma_wait3A_556 = tpu.memref_squeeze %dma_wait3A_555 : memref<1x50x50xi32, #tpu.memory_space<vmem>> -> memref<50x50xi32, #tpu.memory_space<vmem>>
      %dma_wait3A_557 = arith.constant 0 : i32
      %dma_wait3A_558 = tpu.memref_slice %dma_wait3A_556[%dma_wait3A_552, %dma_wait3A_557] : memref<50x50xi32, #tpu.memory_space<vmem>> -> memref<1x50xi32, #tpu.memory_space<vmem>>
      %dma_wait3A_559 = tpu.memref_squeeze %dma_wait3A_558 : memref<1x50xi32, #tpu.memory_space<vmem>> -> memref<50xi32, #tpu.memory_space<vmem>>
      %dma_wait3A_560 = arith.constant 0 : i32
      %dma_wait3A_561 = arith.constant 0 : i32
      %dma_wait3A_562 = tpu.memref_slice %arg2[%dma_wait3A_560, %dma_wait3A_561] : memref<10000x128xf32, #tpu.memory_space<hbm>> -> memref<10000x128xf32, #tpu.memory_space<hbm>>
      tpu.wait_indirect_dma semaphore(%arg12 : memref<!tpu.dma_semaphore, #tpu.memory_space<semaphore_mem>>) src(%dma_wait3A_562 : memref<10000x128xf32, #tpu.memory_space<hbm>>) dst(%arg8 : memref<50x128xf32, #tpu.memory_space<vmem>>)
      "tpu.region"() ({
        %run_scoped3A = tpu.sem_alloc : memref<!tpu.dma_semaphore, #tpu.memory_space<semaphore_mem>>
        %dma_start3A_583 = arith.constant 0 : i32
        %dma_start3A_584 = arith.constant 0 : i32
        %dma_start3A_585 = tpu.memref_slice %arg7[%scan3A_520, %dma_start3A_583, %dma_start3A_584] : memref<2x50x50xi32, #tpu.memory_space<vmem>> -> memref<1x50x50xi32, #tpu.memory_space<vmem>>
        %dma_start3A_586 = tpu.memref_squeeze %dma_start3A_585 : memref<1x50x50xi32, #tpu.memory_space<vmem>> -> memref<50x50xi32, #tpu.memory_space<vmem>>
        %dma_start3A_587 = arith.constant 0 : i32
        %dma_start3A_588 = tpu.memref_slice %dma_start3A_586[%mul3A_538, %dma_start3A_587] : memref<50x50xi32, #tpu.memory_space<vmem>> -> memref<1x50xi32, #tpu.memory_space<vmem>>
        %dma_start3A_589 = tpu.memref_squeeze %dma_start3A_588 : memref<1x50xi32, #tpu.memory_space<vmem>> -> memref<50xi32, #tpu.memory_space<vmem>>
        %dma_start3A_590 = arith.constant 0 : i32
        %dma_start3A_591 = arith.constant 0 : i32
        %dma_start3A_592 = tpu.memref_slice %arg10[%dma_start3A_590, %dma_start3A_591] : memref<10000x128xf32, #tpu.memory_space<vmem_shared>> -> memref<10000x128xf32, #tpu.memory_space<vmem_shared>>
        tpu.enqueue_indirect_dma source(%arg8 : memref<50x128xf32, #tpu.memory_space<vmem>>) target(%dma_start3A_592 : memref<10000x128xf32, #tpu.memory_space<vmem_shared>>) offsets(%dma_start3A_589 : memref<50xi32, #tpu.memory_space<vmem>>) semaphore(%run_scoped3A : memref<!tpu.dma_semaphore, #tpu.memory_space<semaphore_mem>>) {add = true}
        %dma_wait3A_593 = arith.constant 0 : i32
        %dma_wait3A_594 = arith.constant 0 : i32
        %dma_wait3A_595 = tpu.memref_slice %arg7[%scan3A_520, %dma_wait3A_593, %dma_wait3A_594] : memref<2x50x50xi32, #tpu.memory_space<vmem>> -> memref<1x50x50xi32, #tpu.memory_space<vmem>>
        %dma_wait3A_596 = tpu.memref_squeeze %dma_wait3A_595 : memref<1x50x50xi32, #tpu.memory_space<vmem>> -> memref<50x50xi32, #tpu.memory_space<vmem>>
        %dma_wait3A_597 = arith.constant 0 : i32
        %dma_wait3A_598 = tpu.memref_slice %dma_wait3A_596[%mul3A_538, %dma_wait3A_597] : memref<50x50xi32, #tpu.memory_space<vmem>> -> memref<1x50xi32, #tpu.memory_space<vmem>>
        %dma_wait3A_599 = tpu.memref_squeeze %dma_wait3A_598 : memref<1x50xi32, #tpu.memory_space<vmem>> -> memref<50xi32, #tpu.memory_space<vmem>>
        %dma_wait3A_600 = arith.constant 0 : i32
        %dma_wait3A_601 = arith.constant 0 : i32
        %dma_wait3A_602 = tpu.memref_slice %arg10[%dma_wait3A_600, %dma_wait3A_601] : memref<10000x128xf32, #tpu.memory_space<vmem_shared>> -> memref<10000x128xf32, #tpu.memory_space<vmem_shared>>
        tpu.wait_indirect_dma semaphore(%run_scoped3A : memref<!tpu.dma_semaphore, #tpu.memory_space<semaphore_mem>>) src(%arg8 : memref<50x128xf32, #tpu.memory_space<vmem>>) dst(%dma_wait3A_602 : memref<10000x128xf32, #tpu.memory_space<vmem_shared>>)
        tpu.yield
      }) : () -> ()
      %add3A_563 = arith.constant 2 : i32
      %add3A_564 = arith.addi %mul3A_538, %add3A_563 : i32
      %lt3A = arith.constant 50 : i32
      %lt3A_565 = arith.cmpi slt, %add3A_564, %lt3A : i32
      %convert_element_type3A_566 = arith.extui %lt3A_565 : i1 to i32
      %cond3A_567 = arith.constant 0 : i32
      %cond3A_568 = arith.cmpi ne, %convert_element_type3A_566, %cond3A_567 : i32
      scf.if %cond3A_568 {
        %add3A_583 = arith.constant 2 : i32
        %add3A_584 = arith.addi %mul3A_538, %add3A_583 : i32
        %dma_start3A_585 = arith.constant 0 : i32
        %dma_start3A_586 = arith.constant 0 : i32
        %dma_start3A_587 = tpu.memref_slice %arg6[%scan3A_519, %dma_start3A_585, %dma_start3A_586] : memref<2x50x50xi32, #tpu.memory_space<vmem>> -> memref<1x50x50xi32, #tpu.memory_space<vmem>>
        %dma_start3A_588 = tpu.memref_squeeze %dma_start3A_587 : memref<1x50x50xi32, #tpu.memory_space<vmem>> -> memref<50x50xi32, #tpu.memory_space<vmem>>
        %dma_start3A_589 = arith.constant 0 : i32
        %dma_start3A_590 = tpu.memref_slice %dma_start3A_588[%add3A_584, %dma_start3A_589] : memref<50x50xi32, #tpu.memory_space<vmem>> -> memref<1x50xi32, #tpu.memory_space<vmem>>
        %dma_start3A_591 = tpu.memref_squeeze %dma_start3A_590 : memref<1x50xi32, #tpu.memory_space<vmem>> -> memref<50xi32, #tpu.memory_space<vmem>>
        %dma_start3A_592 = arith.constant 0 : i32
        %dma_start3A_593 = arith.constant 0 : i32
        %dma_start3A_594 = tpu.memref_slice %arg2[%dma_start3A_592, %dma_start3A_593] : memref<10000x128xf32, #tpu.memory_space<hbm>> -> memref<10000x128xf32, #tpu.memory_space<hbm>>
        tpu.enqueue_indirect_dma source(%dma_start3A_594 : memref<10000x128xf32, #tpu.memory_space<hbm>>) target(%arg8 : memref<50x128xf32, #tpu.memory_space<vmem>>) offsets(%dma_start3A_591 : memref<50xi32, #tpu.memory_space<vmem>>) semaphore(%arg12 : memref<!tpu.dma_semaphore, #tpu.memory_space<semaphore_mem>>)
      } else {
      }
      %dma_wait3A_569 = arith.constant 0 : i32
      %dma_wait3A_570 = arith.constant 0 : i32
      %dma_wait3A_571 = arith.constant 0 : i32
      %dma_wait3A_572 = arith.constant 0 : i32
      %dma_wait3A_573 = tpu.memref_slice %arg6[%dma_wait3A_569, %dma_wait3A_571, %dma_wait3A_572] : memref<2x50x50xi32, #tpu.memory_space<vmem>> -> memref<1x50x50xi32, #tpu.memory_space<vmem>>
      %dma_wait3A_574 = tpu.memref_squeeze %dma_wait3A_573 : memref<1x50x50xi32, #tpu.memory_space<vmem>> -> memref<50x50xi32, #tpu.memory_space<vmem>>
      %dma_wait3A_575 = arith.constant 0 : i32
      %dma_wait3A_576 = tpu.memref_slice %dma_wait3A_574[%dma_wait3A_570, %dma_wait3A_575] : memref<50x50xi32, #tpu.memory_space<vmem>> -> memref<1x50xi32, #tpu.memory_space<vmem>>
      %dma_wait3A_577 = tpu.memref_squeeze %dma_wait3A_576 : memref<1x50xi32, #tpu.memory_space<vmem>> -> memref<50xi32, #tpu.memory_space<vmem>>
      %dma_wait3A_578 = arith.constant 0 : i32
      %dma_wait3A_579 = arith.constant 0 : i32
      %dma_wait3A_580 = tpu.memref_slice %arg2[%dma_wait3A_578, %dma_wait3A_579] : memref<10000x128xf32, #tpu.memory_space<hbm>> -> memref<10000x128xf32, #tpu.memory_space<hbm>>
      tpu.wait_indirect_dma semaphore(%arg13 : memref<!tpu.dma_semaphore, #tpu.memory_space<semaphore_mem>>) src(%dma_wait3A_580 : memref<10000x128xf32, #tpu.memory_space<hbm>>) dst(%arg9 : memref<50x128xf32, #tpu.memory_space<vmem>>)
      %add3A_581 = arith.constant 1 : i32
      %add3A_582 = arith.addi %mul3A_538, %add3A_581 : i32
      "tpu.region"() ({
        %run_scoped3A = tpu.sem_alloc : memref<!tpu.dma_semaphore, #tpu.memory_space<semaphore_mem>>
        %dma_start3A_583 = arith.constant 0 : i32
        %dma_start3A_584 = arith.constant 0 : i32
        %dma_start3A_585 = tpu.memref_slice %arg7[%scan3A_520, %dma_start3A_583, %dma_start3A_584] : memref<2x50x50xi32, #tpu.memory_space<vmem>> -> memref<1x50x50xi32, #tpu.memory_space<vmem>>
        %dma_start3A_586 = tpu.memref_squeeze %dma_start3A_585 : memref<1x50x50xi32, #tpu.memory_space<vmem>> -> memref<50x50xi32, #tpu.memory_space<vmem>>
        %dma_start3A_587 = arith.constant 0 : i32
        %dma_start3A_588 = tpu.memref_slice %dma_start3A_586[%add3A_582, %dma_start3A_587] : memref<50x50xi32, #tpu.memory_space<vmem>> -> memref<1x50xi32, #tpu.memory_space<vmem>>
        %dma_start3A_589 = tpu.memref_squeeze %dma_start3A_588 : memref<1x50xi32, #tpu.memory_space<vmem>> -> memref<50xi32, #tpu.memory_space<vmem>>
        %dma_start3A_590 = arith.constant 0 : i32
        %dma_start3A_591 = arith.constant 0 : i32
        %dma_start3A_592 = tpu.memref_slice %arg10[%dma_start3A_590, %dma_start3A_591] : memref<10000x128xf32, #tpu.memory_space<vmem_shared>> -> memref<10000x128xf32, #tpu.memory_space<vmem_shared>>
        tpu.enqueue_indirect_dma source(%arg9 : memref<50x128xf32, #tpu.memory_space<vmem>>) target(%dma_start3A_592 : memref<10000x128xf32, #tpu.memory_space<vmem_shared>>) offsets(%dma_start3A_589 : memref<50xi32, #tpu.memory_space<vmem>>) semaphore(%run_scoped3A : memref<!tpu.dma_semaphore, #tpu.memory_space<semaphore_mem>>) {add = true}
        %dma_wait3A_593 = arith.constant 0 : i32
        %dma_wait3A_594 = arith.constant 0 : i32
        %dma_wait3A_595 = tpu.memref_slice %arg7[%scan3A_520, %dma_wait3A_593, %dma_wait3A_594] : memref<2x50x50xi32, #tpu.memory_space<vmem>> -> memref<1x50x50xi32, #tpu.memory_space<vmem>>
        %dma_wait3A_596 = tpu.memref_squeeze %dma_wait3A_595 : memref<1x50x50xi32, #tpu.memory_space<vmem>> -> memref<50x50xi32, #tpu.memory_space<vmem>>
        %dma_wait3A_597 = arith.constant 0 : i32
        %dma_wait3A_598 = tpu.memref_slice %dma_wait3A_596[%add3A_582, %dma_wait3A_597] : memref<50x50xi32, #tpu.memory_space<vmem>> -> memref<1x50xi32, #tpu.memory_space<vmem>>
        %dma_wait3A_599 = tpu.memref_squeeze %dma_wait3A_598 : memref<1x50xi32, #tpu.memory_space<vmem>> -> memref<50xi32, #tpu.memory_space<vmem>>
        %dma_wait3A_600 = arith.constant 0 : i32
        %dma_wait3A_601 = arith.constant 0 : i32
        %dma_wait3A_602 = tpu.memref_slice %arg10[%dma_wait3A_600, %dma_wait3A_601] : memref<10000x128xf32, #tpu.memory_space<vmem_shared>> -> memref<10000x128xf32, #tpu.memory_space<vmem_shared>>
        tpu.wait_indirect_dma semaphore(%run_scoped3A : memref<!tpu.dma_semaphore, #tpu.memory_space<semaphore_mem>>) src(%arg9 : memref<50x128xf32, #tpu.memory_space<vmem>>) dst(%dma_wait3A_602 : memref<10000x128xf32, #tpu.memory_space<vmem_shared>>)
        tpu.yield
      }) : () -> ()
    }
    %scan3A_525 = arith.constant 25 : i32
    %barrier3A_526 = arith.constant 0 : index
    tpu.barrier barrier_id(%barrier3A_526)
    "tpu.region"() ({
      %run_scoped3A = tpu.sem_alloc : memref<!tpu.dma_semaphore, #tpu.memory_space<semaphore_mem>>
      %dma_start3A_532 = arith.constant 0 : i32
      %dma_start3A_533 = arith.constant 0 : i32
      %dma_start3A_534 = tpu.memref_slice %arg5[%arg0, %dma_start3A_532, %dma_start3A_533] : memref<2x10000x128xf32, #tpu.memory_space<hbm>> -> memref<1x10000x128xf32, #tpu.memory_space<hbm>>
      %dma_start3A_535 = tpu.memref_squeeze %dma_start3A_534 : memref<1x10000x128xf32, #tpu.memory_space<hbm>> -> memref<10000x128xf32, #tpu.memory_space<hbm>>
      %dma_start3A_536 = arith.constant 0 : i32
      %dma_start3A_537 = tpu.memref_slice %dma_start3A_535[%mul3A_57, %dma_start3A_536] : memref<10000x128xf32, #tpu.memory_space<hbm>> -> memref<624x128xf32, #tpu.memory_space<hbm>>
      %dma_start3A_538 = arith.constant 0 : i32
      %dma_start3A_539 = tpu.memref_slice %arg10[%mul3A_57, %dma_start3A_538] : memref<10000x128xf32, #tpu.memory_space<vmem_shared>> -> memref<624x128xf32, #tpu.memory_space<vmem_shared>>
      tpu.enqueue_dma source(%dma_start3A_539 : memref<624x128xf32, #tpu.memory_space<vmem_shared>>) target(%dma_start3A_537 : memref<624x128xf32, #tpu.memory_space<hbm>>) target_semaphore(%run_scoped3A : memref<!tpu.dma_semaphore, #tpu.memory_space<semaphore_mem>>)
      %dma_wait3A_540 = arith.constant 0 : i32
      %dma_wait3A_541 = arith.constant 0 : i32
      %dma_wait3A_542 = tpu.memref_slice %arg5[%arg0, %dma_wait3A_540, %dma_wait3A_541] : memref<2x10000x128xf32, #tpu.memory_space<hbm>> -> memref<1x10000x128xf32, #tpu.memory_space<hbm>>
      %dma_wait3A_543 = tpu.memref_squeeze %dma_wait3A_542 : memref<1x10000x128xf32, #tpu.memory_space<hbm>> -> memref<10000x128xf32, #tpu.memory_space<hbm>>
      %dma_wait3A_544 = arith.constant 0 : i32
      %dma_wait3A_545 = tpu.memref_slice %dma_wait3A_543[%mul3A_57, %dma_wait3A_544] : memref<10000x128xf32, #tpu.memory_space<hbm>> -> memref<624x128xf32, #tpu.memory_space<hbm>>
      %dma_wait3A_546 = arith.constant 0 : i32
      %dma_wait3A_547 = tpu.memref_slice %arg10[%mul3A_57, %dma_wait3A_546] : memref<10000x128xf32, #tpu.memory_space<vmem_shared>> -> memref<624x128xf32, #tpu.memory_space<vmem_shared>>
      tpu.wait_dma2 semaphore(%run_scoped3A : memref<!tpu.dma_semaphore, #tpu.memory_space<semaphore_mem>>) src(%dma_wait3A_547 : memref<624x128xf32, #tpu.memory_space<vmem_shared>>) dst(%dma_wait3A_545 : memref<624x128xf32, #tpu.memory_space<hbm>>)
      tpu.yield
    }) : () -> ()
    %eq3A_527 = arith.constant 15 : i32
    %eq3A_528 = arith.cmpi eq, %arg1, %eq3A_527 : i32
    %convert_element_type3A_529 = arith.extui %eq3A_528 : i1 to i32
    %cond3A_530 = arith.constant 0 : i32
    %cond3A_531 = arith.cmpi ne, %convert_element_type3A_529, %cond3A_530 : i32
    scf.if %cond3A_531 {
      "tpu.region"() ({
        %run_scoped3A = tpu.sem_alloc : memref<!tpu.dma_semaphore, #tpu.memory_space<semaphore_mem>>
        %dma_start3A_532 = arith.constant 0 : i32
        %dma_start3A_533 = arith.constant 0 : i32
        %dma_start3A_534 = tpu.memref_slice %arg5[%arg0, %dma_start3A_532, %dma_start3A_533] : memref<2x10000x128xf32, #tpu.memory_space<hbm>> -> memref<1x10000x128xf32, #tpu.memory_space<hbm>>
        %dma_start3A_535 = tpu.memref_squeeze %dma_start3A_534 : memref<1x10000x128xf32, #tpu.memory_space<hbm>> -> memref<10000x128xf32, #tpu.memory_space<hbm>>
        %dma_start3A_536 = arith.constant 9984 : i32
        %dma_start3A_537 = arith.constant 0 : i32
        %dma_start3A_538 = tpu.memref_slice %dma_start3A_535[%dma_start3A_536, %dma_start3A_537] : memref<10000x128xf32, #tpu.memory_space<hbm>> -> memref<16x128xf32, #tpu.memory_space<hbm>>
        %dma_start3A_539 = arith.constant 9984 : i32
        %dma_start3A_540 = arith.constant 0 : i32
        %dma_start3A_541 = tpu.memref_slice %arg10[%dma_start3A_539, %dma_start3A_540] : memref<10000x128xf32, #tpu.memory_space<vmem_shared>> -> memref<16x128xf32, #tpu.memory_space<vmem_shared>>
        tpu.enqueue_dma source(%dma_start3A_541 : memref<16x128xf32, #tpu.memory_space<vmem_shared>>) target(%dma_start3A_538 : memref<16x128xf32, #tpu.memory_space<hbm>>) target_semaphore(%run_scoped3A : memref<!tpu.dma_semaphore, #tpu.memory_space<semaphore_mem>>)
        %dma_wait3A_542 = arith.constant 0 : i32
        %dma_wait3A_543 = arith.constant 0 : i32
        %dma_wait3A_544 = tpu.memref_slice %arg5[%arg0, %dma_wait3A_542, %dma_wait3A_543] : memref<2x10000x128xf32, #tpu.memory_space<hbm>> -> memref<1x10000x128xf32, #tpu.memory_space<hbm>>
        %dma_wait3A_545 = tpu.memref_squeeze %dma_wait3A_544 : memref<1x10000x128xf32, #tpu.memory_space<hbm>> -> memref<10000x128xf32, #tpu.memory_space<hbm>>
        %dma_wait3A_546 = arith.constant 9984 : i32
        %dma_wait3A_547 = arith.constant 0 : i32
        %dma_wait3A_548 = tpu.memref_slice %dma_wait3A_545[%dma_wait3A_546, %dma_wait3A_547] : memref<10000x128xf32, #tpu.memory_space<hbm>> -> memref<16x128xf32, #tpu.memory_space<hbm>>
        %dma_wait3A_549 = arith.constant 9984 : i32
        %dma_wait3A_550 = arith.constant 0 : i32
        %dma_wait3A_551 = tpu.memref_slice %arg10[%dma_wait3A_549, %dma_wait3A_550] : memref<10000x128xf32, #tpu.memory_space<vmem_shared>> -> memref<16x128xf32, #tpu.memory_space<vmem_shared>>
        tpu.wait_dma2 semaphore(%run_scoped3A : memref<!tpu.dma_semaphore, #tpu.memory_space<semaphore_mem>>) src(%dma_wait3A_551 : memref<16x128xf32, #tpu.memory_space<vmem_shared>>) dst(%dma_wait3A_548 : memref<16x128xf32, #tpu.memory_space<hbm>>)
        tpu.yield
      }) : () -> ()
    } else {
    }
    return
  }
}

</mosaic_0001>

<sc_bundles>
// kernel: _sc_scatter.3.cloned.1.call-start
scs
__scs_entry_jumppad:
0x0: {  	(pc) =	sbr.rel $0x88, $3  }
0x1: {  	(tag) =	ssettag $0x0;
	lr =	simm.s32 $0x1  }
0x2: {  	[smem:$0x3F9E] =	sst lr;
	_ =	strace $0xD0000000  }
0x3: {  	_ = 	snop  }
0x4: {  	_ = 	snop  }
0x5: {  	_ = 	snop  }
0x6: {  	_ = 	snop  }
0x7: {  	_ = 	snop  }
__scs_overlays_trampoline_lowered:
0x8: {  	[smem:$0x3FAD] =	sst s0  }
0x9: {  	[smem:$0x3FAE] =	sst s1  }
0xa: {  	[smem:$0x3FAF] =	sst s2  }
0xb: {  	[smem:$0x3FB0] =	sst s3  }
0xc: {  	[smem:$0x3FB1] =	sst s4  }
0xd: {  	[smem:$0x3FB2] =	sst s5  }
0xe: {  	[smem:$0x3FB3] =	sst s6  }
0xf: {  	[smem:$0x3FB4] =	sst s7  }
0x10: {  	[smem:$0x3FB5] =	sst s8  }
0x11: {  	[smem:$0x3FB6] =	sst s9;
	s0 =	simm.s32 @!p0 $0x0  }
0x12: {  	s1 =	sld [smem:$0x3F9C];
	s0 =	simm.s32 @p0 $0x1  }
0x13: {  	[smem:$0x3FB7] =	sst s0;
	s0 =	simm.s32 @!p1 $0x0  }
0x14: {  	s2 =	sld [smem:$0x3F9B];
	s0 =	simm.s32 @p1 $0x1  }
0x15: {  	[smem:$0x3FB8] =	sst s0;
	s0 =	simm.s32 @!p2 $0x0  }
0x16: {  	s3 =	sld [smem:$0x3FDB];
	s0 =	simm.s32 @p2 $0x1  }
0x17: {  	s4 =	simm.s32 $0x1BF5;
	[smem:$0x3FBA] =	sst s0  }
0x18: {  	s0 =	sld [smem:$0x3F9D];
	_ =	swait.ge [sflag:s4], $0x0  }
0x19: {  	s7 =	sld [smem:$0x3F9E]  }
0x1a: {  	s8 =	sadd.s32 $0xFFFFE003, lr  }
0x1b: {  	s9 =	sadd.s32 $0xFFFFFEF7, lr;
	s5 =	simm.s32 $0xFFFFFFFF;
	p2 =	slt.u32 s8, $0xFFFFF086  }
0x1c: {  	p1 =	slt.u32 s9, $0xF7A;
	s5 =	simm.s32 @!p2 $0x0  }
0x1d: {  	s5 =	simm.s32 @p1 $0x1;
	p0 =	seq.s32 s7, s2  }
0x1e: {  	s7 =	smul.u32 @!p0 $0xF7A, s2;
	p2 =	seq.s32 @!p0 s5, $0x0  }
0x1f: {  	s9 =	smul.u32 $0xF7A, s1;
	s8 =	simm.s32 @!p0 $0x1BF5;
	p2 =	por !p2, p0  }
0x20: {  	[sflag:s8] =	ssyncset.s32 @!p0 $0xFFFFF086;
	s6 =	sadd.s32 @!p0 s3, s7;
	s7 =	simm.s32 @!p0 $0x108  }
0x21: {  	s3 =	sadd.s32 s3, s9;
	s6 =	sadd.s32 @!p0 $0x88, s6;
	s7 =	simm.s32 @p2 $0x1082  }
0x22: {  	[simem:s7], [sflag:s8] =	dma.local @!p0 [hbm:s6], $0xF7A  }
0x23: {  	s9 =	sor.u32 $0xD0000000, s2;
	s6 =	simm.s32 $0x108;
	_ =	swait.ge @!p0 [sflag:s8], $0x0  }
0x24: {  	s3 =	sadd.s32 $0x88, s3;
	s6 =	simm.s32 @!p1 $0x1082;
	[sflag:s4] =	ssyncset.s32 $0xFFFFF086  }
0x25: {  	[simem:s6], [sflag:s4] =	dma.local [hbm:s3], $0xF7A  }
0x26: {  	[smem:$0x3F9E] =	sst s1;
	(tag) =	ssettag s2;
	_ =	strace s9  }
0x27: {  	s1 =	sld [smem:$0x3FAE]  }
0x28: {  	s2 =	sld [smem:$0x3FAF]  }
0x29: {  	s4 =	sld [smem:$0x3FB1]  }
0x2a: {  	p0 =	seq.s32 s5, $0x0;
	s5 =	sld [smem:$0x3FB2]  }
0x2b: {  	s6 =	sld [smem:$0x3FB3]  }
0x2c: {  	s7 =	sld [smem:$0x3FB4]  }
0x2d: {  	s3 =	simm.s32 $0x108;
	s8 =	sld [smem:$0x3FB5]  }
0x2e: {  	s3 =	simm.s32 @!p0 $0x1082;
	s9 =	sld [smem:$0x3FB6]  }
0x2f: {  	lr =	sadd.s32 s0, s3;
	s0 =	sld [smem:$0x3FAD]  }
0x30: {  	s3 =	sld [smem:$0x3FB0]  }
0x31: {  	[smem:$0x3FB9] =	sst s10  }
0x32: {  	s10 =	sld [smem:$0x3FB7];
	_ =	sdelay $0x3  }
0x33: {  	p0 =	seq.s32 s10, $0x1;
	s10 =	sld [smem:$0x3FB9];
	_ =	sdelay $0x3  }
0x34: {  	[smem:$0x3FB9] =	sst s10  }
0x35: {  	s10 =	sld [smem:$0x3FB8];
	_ =	sdelay $0x3  }
0x36: {  	p1 =	seq.s32 s10, $0x1;
	s10 =	sld [smem:$0x3FB9];
	_ =	sdelay $0x3  }
0x37: {  	[smem:$0x3FB9] =	sst s10  }
0x38: {  	s10 =	sld [smem:$0x3FBA]  }
0x39: {  	_ = 	snop;
	(pc) =	sbr.ind lr, $3  }
0x3a: {  	_ = 	snop  }
0x3b: {  	_ = 	snop  }
0x3c: {  	p2 =	seq.s32 s10, $0x1;
	s10 =	sld [smem:$0x3FB9]  }
0x3d: {  	_ =	shalt  }
0x3e: {  	_ =	shalt  }
0x3f: {  	_ =	shalt  }
0x40: {  	_ =	shalt  }
0x41: {  	_ =	shalt  }
0x42: {  	_ =	shalt  }
0x43: {  	_ =	shalt  }
0x44: {  	_ =	shalt  }
0x45: {  	_ =	shalt  }
0x46: {  	_ =	shalt  }
0x47: {  	_ =	shalt  }
0x48: {  	_ =	shalt  }
0x49: {  	_ =	shalt  }
0x4a: {  	_ =	shalt  }
0x4b: {  	_ =	shalt  }
0x4c: {  	_ =	shalt  }
0x4d: {  	_ =	shalt  }
0x4e: {  	_ =	shalt  }
0x4f: {  	_ =	shalt  }
0x50: {  	_ =	shalt  }
0x51: {  	_ =	shalt  }
0x52: {  	_ =	shalt  }
0x53: {  	_ =	shalt  }
0x54: {  	_ =	shalt  }
0x55: {  	_ =	shalt  }
0x56: {  	_ =	shalt  }
0x57: {  	_ =	shalt  }
0x58: {  	_ =	shalt  }
0x59: {  	_ =	shalt  }
0x5a: {  	_ =	shalt  }
0x5b: {  	_ =	shalt  }
0x5c: {  	_ =	shalt  }
0x5d: {  	_ =	shalt  }
0x5e: {  	_ =	shalt  }
0x5f: {  	_ =	shalt  }
0x60: {  	_ =	shalt  }
0x61: {  	_ =	shalt  }
0x62: {  	_ =	shalt  }
0x63: {  	_ =	shalt  }
0x64: {  	_ =	shalt  }
0x65: {  	_ =	shalt  }
0x66: {  	_ =	shalt  }
0x67: {  	_ =	shalt  }
0x68: {  	_ =	shalt  }
0x69: {  	_ =	shalt  }
0x6a: {  	_ =	shalt  }
0x6b: {  	_ =	shalt  }
0x6c: {  	_ =	shalt  }
0x6d: {  	_ =	shalt  }
0x6e: {  	_ =	shalt  }
0x6f: {  	_ =	shalt  }
0x70: {  	_ =	shalt  }
0x71: {  	_ =	shalt  }
0x72: {  	_ =	shalt  }
0x73: {  	_ =	shalt  }
0x74: {  	_ =	shalt  }
0x75: {  	_ =	shalt  }
0x76: {  	_ =	shalt  }
0x77: {  	_ =	shalt  }
0x78: {  	_ =	shalt  }
0x79: {  	_ =	shalt  }
0x7a: {  	_ =	shalt  }
0x7b: {  	_ =	shalt  }
0x7c: {  	_ =	shalt  }
0x7d: {  	_ =	shalt  }
0x7e: {  	_ =	shalt  }
0x7f: {  	_ =	shalt  }
0x80: {  	_ =	shalt  }
0x81: {  	_ =	shalt  }
0x82: {  	_ =	shalt  }
0x83: {  	_ =	shalt  }
0x84: {  	_ =	shalt  }
0x85: {  	_ =	shalt  }
0x86: {  	_ =	shalt  }
0x87: {  	_ =	shalt  }
.Lfunc_end0:
.L_simem_size_0:
called_computation_lowered:
.L_overlay_start_0:
0x88: {  	s2 =	sld [smem:$0x3FD9]  }
0x89: {  	s3 =	sld [smem:$0x3FFE];
	_ =	sdelay $0x1  }
0x8a: {  	s1 =	srdreg.scid  }
0x8b: {  	s0 =	sand.u32 $0x1, s1  }
0x8c: {  	s17 =	sshll.u32 s0, $0xA;
	s2 =	sadd.s32 s3, s2  }
0x8d: {  	s2 =	sadd.s32 s2, s17  }
0x8e: {  	[smem:$0x3FC5] =	sst s2  }
0x8f: {  	_ = 	snop  }
0x90: {  	s2 =	sld [smem:$0x3FC9]  }
0x91: {  	s18 =	sld [smem:$0x3FD0];
	(tm) =	ssettm $0x1  }
0x92: {  	s4 =	sld [smem:$0x3FFB];
	_ =	sdelay $0x3  }
0x93: {  	_ =	strace s4  }
0x94: {  	s4 =	sld [smem:$0x3FFC];
	_ =	sdelay $0x3  }
0x95: {  	_ =	strace s4  }
0x96: {  	s4 =	sld [smem:$0x3FFD];
	_ =	sdelay $0x3  }
0x97: {  	_ =	strace s4  }
0x98: {  	_ =	strace $0x8FFFFFFF  }
0x99: {  	s19 =	sld [smem:$0x3FDB];
	_ =	sdelay $0x1  }
0x9a: {  	s5 =	simm.s32 $_scs_section_size  }
0x9b: {  	s6 =	simm.s32 $_size__tile_overlayer_lowered;
	s7 =	simm.s32 $_tile_overlayer_lowered  }
0x9c: {  	s22 =	simm.s32 $0x1BFF;
	s21 =	sshll.u32 s7, $0x1;
	s4 =	sadd.s32 s5, s19  }
0x9d: {  	s8 =	simm.s32 $0x0;
	s20 =	sshll.u32 s6, $0x1;
	s6 =	sadd.s32 s21, s4  }
0x9e: {  	[timem:s8], [sflag:s22] =	dma.local [hbm:s6], s20  }
0x9f: {  	_ =	swait.ge [sflag:s22], s20  }
0xa0: {  	s5 =	ssub.s32 $0x0, s20;
	[sflag:s22] =	ssyncset.done $0x0  }
0xa1: {  	[sflag:s22] =	ssyncadd.s32 s5;
	_ =	sdelay $0x1  }
0xa2: {  	s23 =	simm.s32 $0x1B8B  }
0xa3: {  	_ =	swait.ge [sflag:s23], $0x1  }
0xa4: {  	[sflag:s23] =	ssyncset.done $0x0  }
0xa5: {  	s25 =	simm.s32 $0x1B8E;
	s24 =	sld [smem:$0x3FFE];
	[sflag:s23] =	ssyncadd.s32 $0xFFFFFFFF  }
0xa6: {  	s26 =	simm.s32 $execute0_lowered;
	[smem:$0x3FD2] =	sst s25  }
0xa7: {  	s6 =	sshll.u32 s26, $0x1;
	_ =	strace $0x80000046;
	[dreg:$0x1] =	wrdreg $0xFFFFFFFF  }
0xa8: {  	s28 =	simm.s32 $_size_execute0_lowered;
	s4 =	sadd.s32 s4, s6;
	[dreg:$0x0] =	wrdreg $0x0  }
0xa9: {  	s6 =	sshll.u32 s28, $0x1;
	[dreg:$0x2] =	wrdreg s4  }
0xaa: {  	[dreg:$0x3] =	wrdreg s6  }
0xab: {  	[dreg:$0x4] =	wrdreg $0xC0  }
0xac: {  	_ =	task [dreg:s8], $0x5FFFF  }
0xad: {  	[dreg:$0x1] =	wrdreg $0xFFFFFFFF  }
0xae: {  	[dreg:$0x0] =	wrdreg $0x60  }
0xaf: {  	[dreg:$0x2] =	wrdreg s2  }
0xb0: {  	[dreg:$0x3] =	wrdreg s24  }
0xb1: {  	[dreg:$0x4] =	wrdreg s18  }
0xb2: {  	[dreg:$0x5] =	wrdreg $0xA8000  }
0xb3: {  	[dreg:$0x6] =	wrdreg $0x9  }
0xb4: {  	_ =	task.clear_ibuf [dreg:s8], $0x7FFFF;
	_ =	strace $0x90000046  }
0xb5: {  	s29 =	simm.s32 $0x9;
	_ =	strace $0x80000048  }
0xb6: {  	_ =	swait.ge [sflag:s29], $0x1  }
0xb7: {  	[sflag:s29] =	ssyncadd.s32 $0xFFFFFFFF  }
0xb8: {  	_ =	strace $0x90000048  }
0xb9: {  	_ =	sfence  }
0xba: {  	s30 =	sld [smem:$0x0];
	_ =	sdelay $0x2  }
0xbb: {  	s31 =	sshll.u32 s1, $0xD;
	s1 =	sshrl.u32 s1, $0x2  }
0xbc: {  	s3 =	sand.u32 $0x4000, s31;
	s1 =	sadd.s32 s1, s30  }
0xbd: {  	s0 =	sor.u32 s3, s0;
	s1 =	sshll.u32 s1, $0x11  }
0xbe: {  	s0 =	sor.u32 s1, s0  }
0xbf: {  	s0 =	sadd.s32 $0x8F2B, s0  }
0xc0: {  	[sflag:s0] =	ssyncadd.remote.s32 $0x1  }
0xc1: {  	_ =	sfence.sel $0xFFFF  }
0xc2: {  	[dreg:$0x0] =	wrdreg $0xFFFFFFFF;
	(pc) =	sbr.abs _section_cstart, $3  }
0xc3: {  	[dreg:$0x1] =	wrdreg $0xFFFFFFFF  }
0xc4: {  	_ =	task.clear_ibuf [dreg:s8], $0x2FFFF;
	_ =	strace $0x9FFFFFFF  }
0xc5: {  	(tm) =	ssettm $0x7FFFFFFF  }
tec
execute0_lowered:
.L_overlay_start_1:
0x0: {  	(tag) =	ssettag $0x1  }
0x1: {  	s0 =	rddreg [dreg:$0x0]  }
0x2: {  	s1 =	rddreg [dreg:$0x1]  }
0x3: {  	s5 =	rddreg [dreg:$0x2]  }
0x4: {  	s2 =	srdreg.scid;
	s3 =	rddreg [dreg:$0x3]  }
0x5: {  	s11 =	stileid.u32;
	s28 =	simm.s32 $0x7000;
	s29 =	simm.s32 $0x8C00  }
0x6: {  	s30 =	simm.s32 $0x2;
	s31 =	simm.s32 $0x3;
	s2 =	sand.u32 $0x1, s2  }
0x7: {  	s9 =	smul.u32 $0x4E000, s11;
	s21 =	sshll.u32 s11, $0x6;
	s12 =	sadd.s32 $0x27000, s0  }
0x8: {  	p0 =	sne.s32 s11, $0xF;
	s4 =	sshll.u32 s2, $0x4;
	s7 =	ssub.s32 $0x2, s2  }
0x9: {  	s2 =	smul.u32 $0x27100, s2;
	s6 =	sor.u32 s11, s4;
	s4 =	simm.s32 $0x0  }
0xa: {  	s8 =	sshrl.u32 s7, $0x1;
	s19 =	sshrl.u32 s9, $0x2;
	s6 =	smul.u32 $0xE00, s6  }
0xb: {  	s9 =	sor.u32 $0x1C04, s21;
	s21 =	simm.s32 $0x4;
	[smem:$0x7FF] =	sst s4  }
0xc: {  	s7 =	ssub.s32 s7, s8;
	s8 =	sadd.s32 s19, s3;
	s1 =	sadd.s32 s6, s1  }
0xd: {  	_ =	strace $0x80000047;
	[dreg:$0x8] =	wrdreg s12;
	s6 =	sadd.s32 $0x600, s1  }
0xe: {  	s17 =	sadd.s32 s5, s2;
	s20 =	sadd.s32 $0x1C600, s1;
	[dreg:$0x5] =	wrdreg s6  }
0xf: {  	s2 =	simm.s32 $0x5000;
	s22 =	sadd.s32 $0x980, s1;
	[dreg:$0x6] =	wrdreg s20  }
0x10: {  	s5 =	simm.s32 $0x5080;
	s23 =	sadd.s32 $0x1C980, s1;
	[dreg:$0x9] =	wrdreg s22  }
0x11: {  	s18 =	smax.u32 s7, $0x1;
	s24 =	sadd.s32 $0xD00, s1;
	[dreg:$0xa] =	wrdreg s23  }
0x12: {  	s7 =	simm.s32 $0x3480;
	s25 =	sadd.s32 $0x1CD00, s1;
	[dreg:$0xb] =	wrdreg s24  }
0x13: {  	s26 =	sadd.s32 $0x1080, s1;
	s16 =	sadd.s32 $0x1D080, s1;
	[dreg:$0xc] =	wrdreg s25  }
0x14: {  	s1 =	simm.s32 $0x1880;
	s6 =	smul.u32 $0x2700, s11;
	[dreg:$0xd] =	wrdreg s26  }
0x15: {  	s20 =	sshrl.u32 s8, $0x3;
	s23 =	simm.s32 $0x1;
	s24 =	simm.s32 $0x1C00  }
0x16: {  	s25 =	simm.s32 $0x5400;
	s26 =	simm.s32 $0x32;
	s10 =	sadd.s32 s0, s6  }
0x17: {  	s8 =	simm.s32 $0x6C00;
	[dreg:$0x7] =	wrdreg s10;
	s10 =	sadd.s32 $0x138000, s3  }
0x18: {  	s11 =	simm.s32 $0x0;
	s22 =	sshrl.u32 @!p0 s10, $0x3;
	s10 =	simm.s32 $0x6C80  }
.LBB2_1:
0x19: {  	s12 =	rddreg [dreg:$0x5]  }
0x1a: {  	s19 =	rddreg [dreg:$0x6]  }
0x1b: {  	[tilespmem:s4], [sflag:$0x1] =	stream.linear.gather [hbm4b:s12+s4], $0x1900, $0x38;
	[tilespmem:$0x1E080] =	vst v63  }
0x1c: {  	s13 =	simm.s32 $0x3800;
	s14 =	rddreg [dreg:$0x7]  }
0x1d: {  	[tilespmem:s13], [sflag:$0x1] =	stream.linear.gather [hbm4b:s19+s4], $0x1900, $0x38;
	[tilespmem:$0x1E080] =	vst v63  }
0x1e: {  	[spmem:s20], [sflag:s9] =	dma.local [hbm:s14], $0x2700  }
0x1f: {  	_ =	swait.ge [sflag:s21], $0x2700  }
0x20: {  	[sflag:s21] =	ssyncset.done $0x0  }
0x21: {  	s12 =	rddreg [dreg:$0x8];
	[sflag:s21] =	ssyncadd.s32 $0xFFFFD900  }
0x22: {  	[spmem:s22], [sflag:s9] =	dma.local @!p0 [hbm:s12], $0x100  }
0x23: {  	s12 =	simm.s32 @!p0 $0x4  }
0x24: {  	_ =	swait.ge @!p0 [sflag:s12], $0x100  }
0x25: {  	[sflag:s12] =	ssyncset.done @!p0 $0x0  }
0x26: {  	[sflag:s12] =	ssyncadd.s32 @!p0 $0xFFFFFF00  }
0x27: {  	_ =	swait.ge [sflag:s23], $0x1900  }
0x28: {  	[sflag:s23] =	ssyncset.done $0x0  }
0x29: {  	[sflag:s23] =	ssyncadd.s32 $0xFFFFE700  }
0x2a: {  	_ =	swait.ge [sflag:s23], $0x1900  }
0x2b: {  	[sflag:s23] =	ssyncset.done $0x0  }
0x2c: {  	[sflag:s23] =	ssyncadd.s32 $0xFFFFE700  }
0x2d: {  	[bflag:$0x0] =	sbarrier.arrive $0xFFFF  }
0x2e: {  	s15 =	rddreg [dreg:$0x9]  }
0x2f: {  	[tilespmem:s24], [sflag:$0x1] =	stream.linear.gather [hbm4b:s15+s4], $0x1900, $0x38;
	[tilespmem:$0x1E080] =	vst v63  }
0x30: {  	s19 =	rddreg [dreg:$0xa]  }
0x31: {  	[tilespmem:s25], [sflag:$0x1] =	stream.linear.gather [hbm4b:s19+s4], $0x1900, $0x38;
	[tilespmem:$0x1E080] =	vst v63  }
0x32: {  	_ = 	snop  }
0x33: {  	[tilespmem:s28], [sflag:$0x2] =	stream.indirect.gather [hbm4b:s0+s26], $0x80, s4, s26, $0xb8;
	[tilespmem:$0x1E080] =	vst v63  }
0x34: {  	s13 =	simm.s32 $0x80  }
0x35: {  	[tilespmem:s29], [sflag:$0x3] =	stream.indirect.gather [hbm4b:s0+s26], $0x80, s13, s26, $0xb8;
	[tilespmem:$0x1E080] =	vst v63  }
0x36: {  	_ =	swait.ge [sflag:s30], $0x1900  }
0x37: {  	[sflag:s30] =	ssyncset.done $0x0  }
0x38: {  	s14 =	simm.s32 $0x3800;
	[sflag:s30] =	ssyncadd.s32 $0xFFFFE700  }
0x39: {  	[spmem:s3] =	stream.indirect.scatter.add.f32 [tilespmem:s28], [sflag:$0x4], $0x80, s14, s26, $0xb8;
	[tilespmem:$0x1E080] =	vst v63  }
0x3a: {  	_ =	swait.ge [sflag:s21], $0x1900  }
0x3b: {  	[sflag:s21] =	ssyncset.done $0x0  }
0x3c: {  	s15 =	simm.s32 $0x100;
	[sflag:s21] =	ssyncadd.s32 $0xFFFFE700  }
0x3d: {  	[tilespmem:s28], [sflag:$0x2] =	stream.indirect.gather [hbm4b:s0+s26], $0x80, s15, s26, $0xb8;
	[tilespmem:$0x1E080] =	vst v63  }
0x3e: {  	_ =	swait.ge [sflag:s31], $0x1900  }
0x3f: {  	[sflag:s31] =	ssyncset.done $0x0  }
0x40: {  	s19 =	simm.s32 $0x3880;
	[sflag:s31] =	ssyncadd.s32 $0xFFFFE700  }
0x41: {  	[spmem:s3] =	stream.indirect.scatter.add.f32 [tilespmem:s29], [sflag:$0x4], $0x80, s19, s26, $0xb8;
	[tilespmem:$0x1E080] =	vst v63  }
0x42: {  	_ =	swait.ge [sflag:s21], $0x1900  }
0x43: {  	s12 =	simm.s32 $0x100;
	s19 =	simm.s32 $0x800;
	[sflag:s21] =	ssyncset.done $0x0  }
.LBB2_2:
0x44: {  	s13 =	sadd.s32 $0x80, s12  }
0x45: {  	[sflag:s21] =	ssyncadd.s32 $0xFFFFE700;
	s14 =	smov.u32 s19;
	s15 =	sadd.s32 $0x400, s19  }
0x46: {  	[tilespmem:s29], [sflag:$0x3] =	stream.indirect.gather [hbm4b:s0+s26], $0x80, s13, s26, $0xb8;
	[tilespmem:$0x1E080] =	vst v63  }
0x47: {  	p1 =	sne.s32 s19, $0x5C00;
	_ =	swait.ge [sflag:s30], $0x1900  }
0x48: {  	[sflag:s30] =	ssyncset.done $0x0  }
0x49: {  	s13 =	sadd.s32 $0x3800, s12;
	[sflag:s30] =	ssyncadd.s32 $0xFFFFE700  }
0x4a: {  	[spmem:s3] =	stream.indirect.scatter.add.f32 [tilespmem:s28], [sflag:$0x4], $0x80, s13, s26, $0xb8;
	[tilespmem:$0x1E080] =	vst v63  }
0x4b: {  	_ =	swait.ge [sflag:s21], $0x1900  }
0x4c: {  	[sflag:s21] =	ssyncset.done $0x0  }
0x4d: {  	s13 =	sadd.s32 $0x100, s12;
	[sflag:s21] =	ssyncadd.s32 $0xFFFFE700  }
0x4e: {  	[tilespmem:s28], [sflag:$0x2] =	stream.indirect.gather [hbm4b:s0+s26], $0x80, s13, s26, $0xb8;
	[tilespmem:$0x1E080] =	vst v63  }
0x4f: {  	_ =	swait.ge [sflag:s31], $0x1900  }
.Ltmp0:
0x50: {  	[sflag:s31] =	ssyncset.done $0x0;
	(pc) =	sbr.rel @p1 .LBB2_2-.Ltmp0, $4  }
0x51: {  	s12 =	sadd.s32 $0x3880, s12;
	[sflag:s31] =	ssyncadd.s32 $0xFFFFE700  }
0x52: {  	[spmem:s3] =	stream.indirect.scatter.add.f32 [tilespmem:s29], [sflag:$0x4], $0x80, s12, s26, $0xb8;
	[tilespmem:$0x1E080] =	vst v63  }
0x53: {  	_ =	swait.ge [sflag:s21], $0x1900  }
0x54: {  	s19 =	smov.u32 s15;
	s12 =	sshra.s32 s14, $0x2;
	[sflag:s21] =	ssyncset.done $0x0  }
0x55: {  	s13 =	sadd.s32 $0x80, s12;
	[sflag:s21] =	ssyncadd.s32 $0xFFFFE700  }
0x56: {  	[tilespmem:s29], [sflag:$0x3] =	stream.indirect.gather [hbm4b:s0+s26], $0x80, s13, s26, $0xb8;
	[tilespmem:$0x1E080] =	vst v63  }
0x57: {  	_ =	swait.ge [sflag:s30], $0x1900  }
0x58: {  	[sflag:s30] =	ssyncset.done $0x0  }
0x59: {  	s15 =	sadd.s32 $0x3800, s12;
	[sflag:s30] =	ssyncadd.s32 $0xFFFFE700  }
0x5a: {  	[spmem:s3] =	stream.indirect.scatter.add.f32 [tilespmem:s28], [sflag:$0x4], $0x80, s15, s26, $0xb8;
	[tilespmem:$0x1E080] =	vst v63  }
0x5b: {  	_ =	swait.ge [sflag:s21], $0x1900  }
0x5c: {  	[sflag:s21] =	ssyncset.done $0x0  }
0x5d: {  	s19 =	sadd.s32 $0x100, s12;
	[sflag:s21] =	ssyncadd.s32 $0xFFFFE700  }
0x5e: {  	[tilespmem:s28], [sflag:$0x2] =	stream.indirect.gather [hbm4b:s0+s26], $0x80, s19, s26, $0xb8;
	[tilespmem:$0x1E080] =	vst v63  }
0x5f: {  	_ =	swait.ge [sflag:s31], $0x1900  }
0x60: {  	[sflag:s31] =	ssyncset.done $0x0  }
0x61: {  	s13 =	sadd.s32 $0x3880, s12;
	[sflag:s31] =	ssyncadd.s32 $0xFFFFE700  }
0x62: {  	[spmem:s3] =	stream.indirect.scatter.add.f32 [tilespmem:s29], [sflag:$0x4], $0x80, s13, s26, $0xb8;
	[tilespmem:$0x1E080] =	vst v63  }
0x63: {  	_ =	swait.ge [sflag:s21], $0x1900  }
0x64: {  	[sflag:s21] =	ssyncset.done $0x0  }
0x65: {  	[sflag:s21] =	ssyncadd.s32 $0xFFFFE700  }
0x66: {  	[tilespmem:s29], [sflag:$0x3] =	stream.indirect.gather [hbm4b:s0+s26], $0x80, s1, s26, $0xb8;
	[tilespmem:$0x1E080] =	vst v63  }
0x67: {  	_ =	swait.ge [sflag:s30], $0x1900  }
0x68: {  	[sflag:s30] =	ssyncset.done $0x0  }
0x69: {  	[sflag:s30] =	ssyncadd.s32 $0xFFFFE700  }
0x6a: {  	[spmem:s3] =	stream.indirect.scatter.add.f32 [tilespmem:s28], [sflag:$0x4], $0x80, s2, s26, $0xb8;
	[tilespmem:$0x1E080] =	vst v63  }
0x6b: {  	_ =	swait.ge [sflag:s21], $0x1900  }
0x6c: {  	[sflag:s21] =	ssyncset.done $0x0  }
0x6d: {  	[sflag:s21] =	ssyncadd.s32 $0xFFFFE700  }
0x6e: {  	_ =	swait.ge [sflag:s31], $0x1900  }
0x6f: {  	[sflag:s31] =	ssyncset.done $0x0  }
0x70: {  	[sflag:s31] =	ssyncadd.s32 $0xFFFFE700  }
0x71: {  	[spmem:s3] =	stream.indirect.scatter.add.f32 [tilespmem:s29], [sflag:$0x4], $0x80, s5, s26, $0xb8;
	[tilespmem:$0x1E080] =	vst v63  }
0x72: {  	_ =	swait.ge [sflag:s21], $0x1900  }
0x73: {  	[sflag:s21] =	ssyncset.done $0x0  }
0x74: {  	[sflag:s21] =	ssyncadd.s32 $0xFFFFE700  }
0x75: {  	_ =	swait.ge [sflag:s23], $0x1900  }
0x76: {  	[sflag:s23] =	ssyncset.done $0x0  }
0x77: {  	[sflag:s23] =	ssyncadd.s32 $0xFFFFE700  }
0x78: {  	_ =	swait.ge [sflag:s23], $0x1900  }
0x79: {  	[sflag:s23] =	ssyncset.done $0x0  }
0x7a: {  	s14 =	rddreg [dreg:$0xb];
	[sflag:s23] =	ssyncadd.s32 $0xFFFFE700  }
0x7b: {  	[tilespmem:s4], [sflag:$0x1] =	stream.linear.gather [hbm4b:s14+s4], $0x1900, $0x38;
	[tilespmem:$0x1E080] =	vst v63  }
0x7c: {  	s19 =	simm.s32 $0x3800;
	s15 =	rddreg [dreg:$0xc]  }
0x7d: {  	[tilespmem:s19], [sflag:$0x1] =	stream.linear.gather [hbm4b:s15+s4], $0x1900, $0x38;
	[tilespmem:$0x1E080] =	vst v63  }
0x7e: {  	_ = 	snop  }
0x7f: {  	[tilespmem:s28], [sflag:$0x2] =	stream.indirect.gather [hbm4b:s0+s26], $0x80, s24, s26, $0xb8;
	[tilespmem:$0x1E080] =	vst v63  }
0x80: {  	s13 =	simm.s32 $0x1C80  }
0x81: {  	[tilespmem:s29], [sflag:$0x3] =	stream.indirect.gather [hbm4b:s0+s26], $0x80, s13, s26, $0xb8;
	[tilespmem:$0x1E080] =	vst v63  }
0x82: {  	_ =	swait.ge [sflag:s30], $0x1900  }
0x83: {  	[sflag:s30] =	ssyncset.done $0x0  }
0x84: {  	s14 =	simm.s32 $0x5400;
	[sflag:s30] =	ssyncadd.s32 $0xFFFFE700  }
0x85: {  	[spmem:s3] =	stream.indirect.scatter.add.f32 [tilespmem:s28], [sflag:$0x4], $0x80, s14, s26, $0xb8;
	[tilespmem:$0x1E080] =	vst v63  }
0x86: {  	_ =	swait.ge [sflag:s21], $0x1900  }
0x87: {  	[sflag:s21] =	ssyncset.done $0x0  }
0x88: {  	s15 =	simm.s32 $0x1D00;
	[sflag:s21] =	ssyncadd.s32 $0xFFFFE700  }
0x89: {  	[tilespmem:s28], [sflag:$0x2] =	stream.indirect.gather [hbm4b:s0+s26], $0x80, s15, s26, $0xb8;
	[tilespmem:$0x1E080] =	vst v63  }
0x8a: {  	_ =	swait.ge [sflag:s31], $0x1900  }
0x8b: {  	[sflag:s31] =	ssyncset.done $0x0  }
0x8c: {  	s19 =	simm.s32 $0x5480;
	[sflag:s31] =	ssyncadd.s32 $0xFFFFE700  }
0x8d: {  	[spmem:s3] =	stream.indirect.scatter.add.f32 [tilespmem:s29], [sflag:$0x4], $0x80, s19, s26, $0xb8;
	[tilespmem:$0x1E080] =	vst v63  }
0x8e: {  	_ =	swait.ge [sflag:s21], $0x1900  }
0x8f: {  	s12 =	simm.s32 $0xFFFFE900;
	s19 =	simm.s32 $0xFFFFA800;
	[sflag:s21] =	ssyncset.done $0x0  }
.LBB2_4:
0x90: {  	s13 =	sadd.s32 $0x3480, s12  }
0x91: {  	[sflag:s21] =	ssyncadd.s32 $0xFFFFE700;
	s14 =	smov.u32 s19;
	s15 =	sadd.s32 $0x400, s19  }
0x92: {  	[tilespmem:s29], [sflag:$0x3] =	stream.indirect.gather [hbm4b:s0+s26], $0x80, s13, s26, $0xb8;
	[tilespmem:$0x1E080] =	vst v63  }
0x93: {  	p1 =	sne.s32 s19, $0xFFFFFC00;
	_ =	swait.ge [sflag:s30], $0x1900  }
0x94: {  	[sflag:s30] =	ssyncset.done $0x0  }
0x95: {  	s13 =	sadd.s32 $0x6C00, s12;
	[sflag:s30] =	ssyncadd.s32 $0xFFFFE700  }
0x96: {  	[spmem:s3] =	stream.indirect.scatter.add.f32 [tilespmem:s28], [sflag:$0x4], $0x80, s13, s26, $0xb8;
	[tilespmem:$0x1E080] =	vst v63  }
0x97: {  	_ =	swait.ge [sflag:s21], $0x1900  }
0x98: {  	[sflag:s21] =	ssyncset.done $0x0  }
0x99: {  	s13 =	sadd.s32 $0x3500, s12;
	[sflag:s21] =	ssyncadd.s32 $0xFFFFE700  }
0x9a: {  	[tilespmem:s28], [sflag:$0x2] =	stream.indirect.gather [hbm4b:s0+s26], $0x80, s13, s26, $0xb8;
	[tilespmem:$0x1E080] =	vst v63  }
0x9b: {  	_ =	swait.ge [sflag:s31], $0x1900  }
.Ltmp1:
0x9c: {  	[sflag:s31] =	ssyncset.done $0x0;
	(pc) =	sbr.rel @p1 .LBB2_4-.Ltmp1, $4  }
0x9d: {  	s12 =	sadd.s32 $0x6C80, s12;
	[sflag:s31] =	ssyncadd.s32 $0xFFFFE700  }
0x9e: {  	[spmem:s3] =	stream.indirect.scatter.add.f32 [tilespmem:s29], [sflag:$0x4], $0x80, s12, s26, $0xb8;
	[tilespmem:$0x1E080] =	vst v63  }
0x9f: {  	_ =	swait.ge [sflag:s21], $0x1900  }
0xa0: {  	s19 =	smov.u32 s15;
	s12 =	sshra.s32 s14, $0x2;
	[sflag:s21] =	ssyncset.done $0x0  }
0xa1: {  	s13 =	sadd.s32 $0x3480, s12;
	[sflag:s21] =	ssyncadd.s32 $0xFFFFE700  }
0xa2: {  	[tilespmem:s29], [sflag:$0x3] =	stream.indirect.gather [hbm4b:s0+s26], $0x80, s13, s26, $0xb8;
	[tilespmem:$0x1E080] =	vst v63  }
0xa3: {  	_ =	swait.ge [sflag:s30], $0x1900  }
0xa4: {  	[sflag:s30] =	ssyncset.done $0x0  }
0xa5: {  	s15 =	sadd.s32 $0x6C00, s12;
	[sflag:s30] =	ssyncadd.s32 $0xFFFFE700  }
0xa6: {  	[spmem:s3] =	stream.indirect.scatter.add.f32 [tilespmem:s28], [sflag:$0x4], $0x80, s15, s26, $0xb8;
	[tilespmem:$0x1E080] =	vst v63  }
0xa7: {  	_ =	swait.ge [sflag:s21], $0x1900  }
0xa8: {  	[sflag:s21] =	ssyncset.done $0x0  }
0xa9: {  	s19 =	sadd.s32 $0x3500, s12;
	[sflag:s21] =	ssyncadd.s32 $0xFFFFE700  }
0xaa: {  	[tilespmem:s28], [sflag:$0x2] =	stream.indirect.gather [hbm4b:s0+s26], $0x80, s19, s26, $0xb8;
	[tilespmem:$0x1E080] =	vst v63  }
0xab: {  	_ =	swait.ge [sflag:s31], $0x1900  }
0xac: {  	[sflag:s31] =	ssyncset.done $0x0  }
0xad: {  	s14 =	sadd.s32 $0x6C80, s12;
	[sflag:s31] =	ssyncadd.s32 $0xFFFFE700  }
0xae: {  	[spmem:s3] =	stream.indirect.scatter.add.f32 [tilespmem:s29], [sflag:$0x4], $0x80, s14, s26, $0xb8;
	[tilespmem:$0x1E080] =	vst v63  }
0xaf: {  	_ =	swait.ge [sflag:s21], $0x1900  }
0xb0: {  	[sflag:s21] =	ssyncset.done $0x0  }
0xb1: {  	[sflag:s21] =	ssyncadd.s32 $0xFFFFE700  }
0xb2: {  	[tilespmem:s29], [sflag:$0x3] =	stream.indirect.gather [hbm4b:s0+s26], $0x80, s7, s26, $0xb8;
	[tilespmem:$0x1E080] =	vst v63  }
0xb3: {  	_ =	swait.ge [sflag:s30], $0x1900  }
0xb4: {  	[sflag:s30] =	ssyncset.done $0x0  }
0xb5: {  	[sflag:s30] =	ssyncadd.s32 $0xFFFFE700  }
0xb6: {  	[spmem:s3] =	stream.indirect.scatter.add.f32 [tilespmem:s28], [sflag:$0x4], $0x80, s8, s26, $0xb8;
	[tilespmem:$0x1E080] =	vst v63  }
0xb7: {  	_ =	swait.ge [sflag:s21], $0x1900  }
0xb8: {  	[sflag:s21] =	ssyncset.done $0x0  }
0xb9: {  	[sflag:s21] =	ssyncadd.s32 $0xFFFFE700  }
0xba: {  	_ =	swait.ge [sflag:s31], $0x1900  }
0xbb: {  	[sflag:s31] =	ssyncset.done $0x0  }
0xbc: {  	[sflag:s31] =	ssyncadd.s32 $0xFFFFE700  }
0xbd: {  	[spmem:s3] =	stream.indirect.scatter.add.f32 [tilespmem:s29], [sflag:$0x4], $0x80, s10, s26, $0xb8;
	[tilespmem:$0x1E080] =	vst v63  }
0xbe: {  	_ =	swait.ge [sflag:s21], $0x1900  }
0xbf: {  	[sflag:s21] =	ssyncset.done $0x0  }
0xc0: {  	[sflag:s21] =	ssyncadd.s32 $0xFFFFE700  }
0xc1: {  	_ =	swait.ge [sflag:s23], $0x1900  }
0xc2: {  	[sflag:s23] =	ssyncset.done $0x0  }
0xc3: {  	[sflag:s23] =	ssyncadd.s32 $0xFFFFE700  }
0xc4: {  	_ =	swait.ge [sflag:s23], $0x1900  }
0xc5: {  	[sflag:s23] =	ssyncset.done $0x0  }
0xc6: {  	s15 =	simm.s32 $0x0;
	s19 =	rddreg [dreg:$0xd];
	[sflag:s23] =	ssyncadd.s32 $0xFFFFE700  }
0xc7: {  	[tilespmem:s24], [sflag:$0x1] =	stream.linear.gather [hbm4b:s19+s15], $0x1900, $0x38;
	[tilespmem:$0x1E080] =	vst v63  }
0xc8: {  	_ = 	snop  }
0xc9: {  	[tilespmem:s25], [sflag:$0x1] =	stream.linear.gather [hbm4b:s16+s15], $0x1900, $0x38;
	[tilespmem:$0x1E080] =	vst v63  }
0xca: {  	_ = 	snop  }
0xcb: {  	[tilespmem:s28], [sflag:$0x2] =	stream.indirect.gather [hbm4b:s0+s26], $0x80, s15, s26, $0xb8;
	[tilespmem:$0x1E080] =	vst v63  }
0xcc: {  	s13 =	simm.s32 $0x80  }
0xcd: {  	[tilespmem:s29], [sflag:$0x3] =	stream.indirect.gather [hbm4b:s0+s26], $0x80, s13, s26, $0xb8;
	[tilespmem:$0x1E080] =	vst v63  }
0xce: {  	_ =	swait.ge [sflag:s30], $0x1900  }
0xcf: {  	[sflag:s30] =	ssyncset.done $0x0  }
0xd0: {  	s14 =	simm.s32 $0x3800;
	[sflag:s30] =	ssyncadd.s32 $0xFFFFE700  }
0xd1: {  	[spmem:s3] =	stream.indirect.scatter.add.f32 [tilespmem:s28], [sflag:$0x4], $0x80, s14, s26, $0xb8;
	[tilespmem:$0x1E080] =	vst v63  }
0xd2: {  	_ =	swait.ge [sflag:s21], $0x1900  }
0xd3: {  	[sflag:s21] =	ssyncset.done $0x0  }
0xd4: {  	s15 =	simm.s32 $0x100;
	[sflag:s21] =	ssyncadd.s32 $0xFFFFE700  }
0xd5: {  	[tilespmem:s28], [sflag:$0x2] =	stream.indirect.gather [hbm4b:s0+s26], $0x80, s15, s26, $0xb8;
	[tilespmem:$0x1E080] =	vst v63  }
0xd6: {  	_ =	swait.ge [sflag:s31], $0x1900  }
0xd7: {  	[sflag:s31] =	ssyncset.done $0x0  }
0xd8: {  	s19 =	simm.s32 $0x3880;
	[sflag:s31] =	ssyncadd.s32 $0xFFFFE700  }
0xd9: {  	[spmem:s3] =	stream.indirect.scatter.add.f32 [tilespmem:s29], [sflag:$0x4], $0x80, s19, s26, $0xb8;
	[tilespmem:$0x1E080] =	vst v63  }
0xda: {  	_ =	swait.ge [sflag:s21], $0x1900  }
0xdb: {  	s12 =	simm.s32 $0x100;
	s19 =	simm.s32 $0x800;
	[sflag:s21] =	ssyncset.done $0x0  }
.LBB2_6:
0xdc: {  	s13 =	sadd.s32 $0x80, s12  }
0xdd: {  	[sflag:s21] =	ssyncadd.s32 $0xFFFFE700;
	s14 =	smov.u32 s19;
	s15 =	sadd.s32 $0x400, s19  }
0xde: {  	[tilespmem:s29], [sflag:$0x3] =	stream.indirect.gather [hbm4b:s0+s26], $0x80, s13, s26, $0xb8;
	[tilespmem:$0x1E080] =	vst v63  }
0xdf: {  	p1 =	sne.s32 s19, $0x5C00;
	_ =	swait.ge [sflag:s30], $0x1900  }
0xe0: {  	[sflag:s30] =	ssyncset.done $0x0  }
0xe1: {  	s13 =	sadd.s32 $0x3800, s12;
	[sflag:s30] =	ssyncadd.s32 $0xFFFFE700  }
0xe2: {  	[spmem:s3] =	stream.indirect.scatter.add.f32 [tilespmem:s28], [sflag:$0x4], $0x80, s13, s26, $0xb8;
	[tilespmem:$0x1E080] =	vst v63  }
0xe3: {  	_ =	swait.ge [sflag:s21], $0x1900  }
0xe4: {  	[sflag:s21] =	ssyncset.done $0x0  }
0xe5: {  	s13 =	sadd.s32 $0x100, s12;
	[sflag:s21] =	ssyncadd.s32 $0xFFFFE700  }
0xe6: {  	[tilespmem:s28], [sflag:$0x2] =	stream.indirect.gather [hbm4b:s0+s26], $0x80, s13, s26, $0xb8;
	[tilespmem:$0x1E080] =	vst v63  }
0xe7: {  	_ =	swait.ge [sflag:s31], $0x1900  }
.Ltmp2:
0xe8: {  	[sflag:s31] =	ssyncset.done $0x0;
	(pc) =	sbr.rel @p1 .LBB2_6-.Ltmp2, $4  }
0xe9: {  	s12 =	sadd.s32 $0x3880, s12;
	[sflag:s31] =	ssyncadd.s32 $0xFFFFE700  }
0xea: {  	[spmem:s3] =	stream.indirect.scatter.add.f32 [tilespmem:s29], [sflag:$0x4], $0x80, s12, s26, $0xb8;
	[tilespmem:$0x1E080] =	vst v63  }
0xeb: {  	_ =	swait.ge [sflag:s21], $0x1900  }
0xec: {  	s19 =	smov.u32 s15;
	s12 =	sshra.s32 s14, $0x2;
	[sflag:s21] =	ssyncset.done $0x0  }
0xed: {  	s13 =	sadd.s32 $0x80, s12;
	[sflag:s21] =	ssyncadd.s32 $0xFFFFE700  }
0xee: {  	[tilespmem:s29], [sflag:$0x3] =	stream.indirect.gather [hbm4b:s0+s26], $0x80, s13, s26, $0xb8;
	[tilespmem:$0x1E080] =	vst v63  }
0xef: {  	_ =	swait.ge [sflag:s30], $0x1900  }
0xf0: {  	[sflag:s30] =	ssyncset.done $0x0  }
0xf1: {  	s14 =	sadd.s32 $0x3800, s12;
	[sflag:s30] =	ssyncadd.s32 $0xFFFFE700  }
0xf2: {  	[spmem:s3] =	stream.indirect.scatter.add.f32 [tilespmem:s28], [sflag:$0x4], $0x80, s14, s26, $0xb8;
	[tilespmem:$0x1E080] =	vst v63  }
0xf3: {  	_ =	swait.ge [sflag:s21], $0x1900  }
0xf4: {  	[sflag:s21] =	ssyncset.done $0x0  }
0xf5: {  	s15 =	sadd.s32 $0x100, s12;
	[sflag:s21] =	ssyncadd.s32 $0xFFFFE700  }
0xf6: {  	[tilespmem:s28], [sflag:$0x2] =	stream.indirect.gather [hbm4b:s0+s26], $0x80, s15, s26, $0xb8;
	[tilespmem:$0x1E080] =	vst v63  }
0xf7: {  	_ =	swait.ge [sflag:s31], $0x1900  }
0xf8: {  	[sflag:s31] =	ssyncset.done $0x0  }
0xf9: {  	s19 =	sadd.s32 $0x3880, s12;
	[sflag:s31] =	ssyncadd.s32 $0xFFFFE700  }
0xfa: {  	[spmem:s3] =	stream.indirect.scatter.add.f32 [tilespmem:s29], [sflag:$0x4], $0x80, s19, s26, $0xb8;
	[tilespmem:$0x1E080] =	vst v63  }
0xfb: {  	_ =	swait.ge [sflag:s21], $0x1900  }
0xfc: {  	[sflag:s21] =	ssyncset.done $0x0  }
0xfd: {  	[sflag:s21] =	ssyncadd.s32 $0xFFFFE700  }
0xfe: {  	[tilespmem:s29], [sflag:$0x3] =	stream.indirect.gather [hbm4b:s0+s26], $0x80, s1, s26, $0xb8;
	[tilespmem:$0x1E080] =	vst v63  }
0xff: {  	_ =	swait.ge [sflag:s30], $0x1900  }
0x100: {  	[sflag:s30] =	ssyncset.done $0x0  }
0x101: {  	[sflag:s30] =	ssyncadd.s32 $0xFFFFE700  }
0x102: {  	[spmem:s3] =	stream.indirect.scatter.add.f32 [tilespmem:s28], [sflag:$0x4], $0x80, s2, s26, $0xb8;
	[tilespmem:$0x1E080] =	vst v63  }
0x103: {  	_ =	swait.ge [sflag:s21], $0x1900  }
0x104: {  	[sflag:s21] =	ssyncset.done $0x0  }
0x105: {  	[sflag:s21] =	ssyncadd.s32 $0xFFFFE700  }
0x106: {  	_ =	swait.ge [sflag:s31], $0x1900  }
0x107: {  	[sflag:s31] =	ssyncset.done $0x0  }
0x108: {  	[sflag:s31] =	ssyncadd.s32 $0xFFFFE700  }
0x109: {  	[spmem:s3] =	stream.indirect.scatter.add.f32 [tilespmem:s29], [sflag:$0x4], $0x80, s5, s26, $0xb8;
	[tilespmem:$0x1E080] =	vst v63  }
0x10a: {  	_ =	swait.ge [sflag:s21], $0x1900  }
0x10b: {  	[sflag:s21] =	ssyncset.done $0x0  }
0x10c: {  	[sflag:s21] =	ssyncadd.s32 $0xFFFFE700  }
0x10d: {  	_ =	swait.ge [sflag:s23], $0x1900  }
0x10e: {  	[sflag:s23] =	ssyncset.done $0x0  }
0x10f: {  	[sflag:s23] =	ssyncadd.s32 $0xFFFFE700  }
0x110: {  	_ =	swait.ge [sflag:s23], $0x1900  }
0x111: {  	[sflag:s23] =	ssyncset.done $0x0  }
0x112: {  	[sflag:s23] =	ssyncadd.s32 $0xFFFFE700  }
0x113: {  	[tilespmem:s28], [sflag:$0x2] =	stream.indirect.gather [hbm4b:s0+s26], $0x80, s24, s26, $0xb8;
	[tilespmem:$0x1E080] =	vst v63  }
0x114: {  	s13 =	simm.s32 $0x1C80  }
0x115: {  	[tilespmem:s29], [sflag:$0x3] =	stream.indirect.gather [hbm4b:s0+s26], $0x80, s13, s26, $0xb8;
	[tilespmem:$0x1E080] =	vst v63  }
0x116: {  	_ =	swait.ge [sflag:s30], $0x1900  }
0x117: {  	[sflag:s30] =	ssyncset.done $0x0  }
0x118: {  	s14 =	simm.s32 $0x5400;
	[sflag:s30] =	ssyncadd.s32 $0xFFFFE700  }
0x119: {  	[spmem:s3] =	stream.indirect.scatter.add.f32 [tilespmem:s28], [sflag:$0x4], $0x80, s14, s26, $0xb8;
	[tilespmem:$0x1E080] =	vst v63  }
0x11a: {  	_ =	swait.ge [sflag:s21], $0x1900  }
0x11b: {  	[sflag:s21] =	ssyncset.done $0x0  }
0x11c: {  	s15 =	simm.s32 $0x1D00;
	[sflag:s21] =	ssyncadd.s32 $0xFFFFE700  }
0x11d: {  	[tilespmem:s28], [sflag:$0x2] =	stream.indirect.gather [hbm4b:s0+s26], $0x80, s15, s26, $0xb8;
	[tilespmem:$0x1E080] =	vst v63  }
0x11e: {  	_ =	swait.ge [sflag:s31], $0x1900  }
0x11f: {  	[sflag:s31] =	ssyncset.done $0x0  }
0x120: {  	s19 =	simm.s32 $0x5480;
	[sflag:s31] =	ssyncadd.s32 $0xFFFFE700  }
0x121: {  	[spmem:s3] =	stream.indirect.scatter.add.f32 [tilespmem:s29], [sflag:$0x4], $0x80, s19, s26, $0xb8;
	[tilespmem:$0x1E080] =	vst v63  }
0x122: {  	_ =	swait.ge [sflag:s21], $0x1900  }
0x123: {  	s12 =	simm.s32 $0xFFFFE900;
	s19 =	simm.s32 $0xFFFFA800;
	[sflag:s21] =	ssyncset.done $0x0  }
.LBB2_8:
0x124: {  	s13 =	sadd.s32 $0x3480, s12  }
0x125: {  	[sflag:s21] =	ssyncadd.s32 $0xFFFFE700;
	s14 =	smov.u32 s19;
	s15 =	sadd.s32 $0x400, s19  }
0x126: {  	[tilespmem:s29], [sflag:$0x3] =	stream.indirect.gather [hbm4b:s0+s26], $0x80, s13, s26, $0xb8;
	[tilespmem:$0x1E080] =	vst v63  }
0x127: {  	p1 =	sne.s32 s19, $0xFFFFFC00;
	_ =	swait.ge [sflag:s30], $0x1900  }
0x128: {  	[sflag:s30] =	ssyncset.done $0x0  }
0x129: {  	s13 =	sadd.s32 $0x6C00, s12;
	[sflag:s30] =	ssyncadd.s32 $0xFFFFE700  }
0x12a: {  	[spmem:s3] =	stream.indirect.scatter.add.f32 [tilespmem:s28], [sflag:$0x4], $0x80, s13, s26, $0xb8;
	[tilespmem:$0x1E080] =	vst v63  }
0x12b: {  	_ =	swait.ge [sflag:s21], $0x1900  }
0x12c: {  	[sflag:s21] =	ssyncset.done $0x0  }
0x12d: {  	s13 =	sadd.s32 $0x3500, s12;
	[sflag:s21] =	ssyncadd.s32 $0xFFFFE700  }
0x12e: {  	[tilespmem:s28], [sflag:$0x2] =	stream.indirect.gather [hbm4b:s0+s26], $0x80, s13, s26, $0xb8;
	[tilespmem:$0x1E080] =	vst v63  }
0x12f: {  	_ =	swait.ge [sflag:s31], $0x1900  }
.Ltmp3:
0x130: {  	[sflag:s31] =	ssyncset.done $0x0;
	(pc) =	sbr.rel @p1 .LBB2_8-.Ltmp3, $4  }
0x131: {  	s12 =	sadd.s32 $0x6C80, s12;
	[sflag:s31] =	ssyncadd.s32 $0xFFFFE700  }
0x132: {  	[spmem:s3] =	stream.indirect.scatter.add.f32 [tilespmem:s29], [sflag:$0x4], $0x80, s12, s26, $0xb8;
	[tilespmem:$0x1E080] =	vst v63  }
0x133: {  	_ =	swait.ge [sflag:s21], $0x1900  }
0x134: {  	s19 =	smov.u32 s15;
	s12 =	sshra.s32 s14, $0x2;
	[sflag:s21] =	ssyncset.done $0x0  }
0x135: {  	s13 =	sadd.s32 $0x3480, s12;
	[sflag:s21] =	ssyncadd.s32 $0xFFFFE700  }
0x136: {  	[tilespmem:s29], [sflag:$0x3] =	stream.indirect.gather [hbm4b:s0+s26], $0x80, s13, s26, $0xb8;
	[tilespmem:$0x1E080] =	vst v63  }
0x137: {  	_ =	swait.ge [sflag:s30], $0x1900  }
0x138: {  	[sflag:s30] =	ssyncset.done $0x0  }
0x139: {  	s19 =	sadd.s32 $0x6C00, s12;
	[sflag:s30] =	ssyncadd.s32 $0xFFFFE700  }
0x13a: {  	[spmem:s3] =	stream.indirect.scatter.add.f32 [tilespmem:s28], [sflag:$0x4], $0x80, s19, s26, $0xb8;
	[tilespmem:$0x1E080] =	vst v63  }
0x13b: {  	_ =	swait.ge [sflag:s21], $0x1900  }
0x13c: {  	[sflag:s21] =	ssyncset.done $0x0  }
0x13d: {  	s14 =	sadd.s32 $0x3500, s12;
	[sflag:s21] =	ssyncadd.s32 $0xFFFFE700  }
0x13e: {  	[tilespmem:s28], [sflag:$0x2] =	stream.indirect.gather [hbm4b:s0+s26], $0x80, s14, s26, $0xb8;
	[tilespmem:$0x1E080] =	vst v63  }
0x13f: {  	_ =	swait.ge [sflag:s31], $0x1900  }
0x140: {  	[sflag:s31] =	ssyncset.done $0x0  }
0x141: {  	s15 =	sadd.s32 $0x6C80, s12;
	[sflag:s31] =	ssyncadd.s32 $0xFFFFE700  }
0x142: {  	[spmem:s3] =	stream.indirect.scatter.add.f32 [tilespmem:s29], [sflag:$0x4], $0x80, s15, s26, $0xb8;
	[tilespmem:$0x1E080] =	vst v63  }
0x143: {  	_ =	swait.ge [sflag:s21], $0x1900  }
0x144: {  	[sflag:s21] =	ssyncset.done $0x0  }
0x145: {  	[sflag:s21] =	ssyncadd.s32 $0xFFFFE700  }
0x146: {  	[tilespmem:s29], [sflag:$0x3] =	stream.indirect.gather [hbm4b:s0+s26], $0x80, s7, s26, $0xb8;
	[tilespmem:$0x1E080] =	vst v63  }
0x147: {  	_ =	swait.ge [sflag:s30], $0x1900  }
0x148: {  	[sflag:s30] =	ssyncset.done $0x0  }
0x149: {  	[sflag:s30] =	ssyncadd.s32 $0xFFFFE700  }
0x14a: {  	[spmem:s3] =	stream.indirect.scatter.add.f32 [tilespmem:s28], [sflag:$0x4], $0x80, s8, s26, $0xb8;
	[tilespmem:$0x1E080] =	vst v63  }
0x14b: {  	_ =	swait.ge [sflag:s21], $0x1900  }
0x14c: {  	[sflag:s21] =	ssyncset.done $0x0  }
0x14d: {  	[sflag:s21] =	ssyncadd.s32 $0xFFFFE700  }
0x14e: {  	_ =	swait.ge [sflag:s31], $0x1900  }
0x14f: {  	[sflag:s31] =	ssyncset.done $0x0  }
0x150: {  	[sflag:s31] =	ssyncadd.s32 $0xFFFFE700  }
0x151: {  	[spmem:s3] =	stream.indirect.scatter.add.f32 [tilespmem:s29], [sflag:$0x4], $0x80, s10, s26, $0xb8;
	[tilespmem:$0x1E080] =	vst v63  }
0x152: {  	_ =	swait.ge [sflag:s21], $0x1900  }
0x153: {  	[sflag:s21] =	ssyncset.done $0x0  }
0x154: {  	[sflag:s21] =	ssyncadd.s32 $0xFFFFE700  }
0x155: {  	s19 =	sadd.s32 s6, s17;
	[bflag:$0x0] =	sbarrier.arrive $0xFFFF  }
0x156: {  	[hbm:s19], [sflag:s9] =	dma.local [spmem:s20], $0x2700  }
0x157: {  	_ =	swait.ge [sflag:s21], $0x2700  }
0x158: {  	s11 =	sadd.s32 $0x1, s11;
	[sflag:s21] =	ssyncset.done $0x0  }
0x159: {  	s12 =	sadd.s32 @!p0 $0x27000, s17;
	p1 =	sne.s32 s11, s18;
	[sflag:s21] =	ssyncadd.s32 $0xFFFFD900  }
0x15a: {  	[hbm:s12], [sflag:s9] =	dma.local @!p0 [spmem:s22], $0x100  }
.Ltmp4:
0x15b: {  	_ = 	snop;
	(pc) =	sbr.rel @p1 .LBB2_1-.Ltmp4, $4  }
0x15c: {  	s12 =	simm.s32 @!p0 $0x4  }
0x15d: {  	_ =	swait.ge @!p0 [sflag:s12], $0x100  }
0x15e: {  	[sflag:s12] =	ssyncset.done @!p0 $0x0  }
0x15f: {  	[sflag:s12] =	ssyncadd.s32 @!p0 $0xFFFFFF00  }
0x160: {  	_ =	sfence.sel $0x180000  }
0x161: {  	[bflag:$0x0] =	sbarrier.arrive $0xFFFF  }
0x162: {  	_ =	strace $0x90000047  }
0x163: {  	s0 =	stileid.u32;
	[bflag:$0x2] =	sbarrier.arrive $0xFFFF  }
0x164: {  	p0 =	sne.s32 s0, $0x0;
	s0 =	rddreg [dreg:$0x4]  }
0x165: {  	s0 =	sadd.s32 @!p0 $0x100000, s0  }
0x166: {  	[sflag:s0] =	ssyncadd.tile.s32 @!p0 $0x1;
	_ =	shalt  }
.Lfunc_end2:
_tile_overlayer_lowered:
.L_overlay_start_2:
0x167: {  	(tag) =	ssettag $0x2  }
0x168: {  	s0 =	rddreg [dreg:$0x0];
	s2 =	stileid.u32  }
0x169: {  	s1 =	rddreg [dreg:$0x1];
	p0 =	sne.s32 s2, $0x0  }
0x16a: {  	s3 =	rddreg [dreg:$0x2];
	[bflag:$0x3] =	sbarrier.arrive $0xFFFF;
	s2 =	simm.s32 @!p0 $0x1C04  }
0x16b: {  	[timem:s3], [sflag:s2] =	dma.local @!p0 [hbm:s0], s1  }
0x16c: {  	s0 =	simm.s32 @!p0 $0x4  }
0x16d: {  	_ =	swait.ge @!p0 [sflag:s0], s1  }
0x16e: {  	s1 =	ssub.s32 @!p0 $0x0, s1;
	[sflag:s0] =	ssyncset.done @!p0 $0x0  }
0x16f: {  	[sflag:s0] =	ssyncadd.s32 @!p0 s1  }
0x170: {  	[bflag:$0x3] =	sbarrier.arrive $0xFFFF  }
0x171: {  	_ =	shalt  }

</sc_bundles>
